<compile_context>
chip_gen: v7x
topology: tpu7x:2x2x1
jax: 0.10.2.dev20260603
libtpu: 0.0.44.dev20260713+nightly
codegen_flags: <defaults>
</compile_context>

<pallas_src>
import functools

import jax
import jax.numpy as jnp
from jax import lax
from jax.experimental import pallas as pl
from jax.experimental.pallas import tpu as pltpu
from jax.experimental.pallas import tpu_sc as plsc

_F = 32
_L = 16


def _mf_body(user_hbm, item_hbm, uf_hbm, if_hbm, out_hbm,
             uidx_v, iidx_v, urows_v, irows_v, out_v, usem, isem,
             *, b_per_w, num_cores):
    wid = lax.axis_index("s") * num_cores + lax.axis_index("c")
    base = wid * b_per_w

    pltpu.sync_copy(user_hbm.at[pl.ds(base, b_per_w)], uidx_v)
    pltpu.sync_copy(item_hbm.at[pl.ds(base, b_per_w)], iidx_v)

    n_ck = 8
    ck = b_per_w // n_ck
    copies = []
    for q in range(n_ck):
        sl = pl.ds(q * ck, ck)
        copies.append(pltpu.async_copy(
            uf_hbm.at[uidx_v.at[sl]], urows_v.at[sl], usem))
        copies.append(pltpu.async_copy(
            if_hbm.at[iidx_v.at[sl]], irows_v.at[sl], isem))
    for cp in copies:
        cp.wait()

    lane = lax.iota(jnp.int32, _L)

    def group(g, carry):
        rbase = g * _L
        acc = jnp.zeros((_L,), jnp.float32)
        for j in range(_L):
            r = rbase + j
            u0 = urows_v[r, pl.ds(0, _L)]
            u1 = urows_v[r, pl.ds(_L, _L)]
            v0 = irows_v[r, pl.ds(0, _L)]
            v1 = irows_v[r, pl.ds(_L, _L)]
            prod = u0 * v0 + u1 * v1
            acc = jnp.where(lane == j, jnp.sum(prod), acc)
        out_v[pl.ds(rbase, _L)] = acc
        return carry

    lax.fori_loop(0, b_per_w // _L, group, 0, unroll=False)

    pltpu.sync_copy(out_v, out_hbm.at[pl.ds(base, b_per_w)])


def kernel(user, item, user_factors, item_factors):
    batch = user.shape[0]
    n_factors = user_factors.shape[1]
    assert n_factors == _F

    info = plsc.get_sparse_core_info()
    nw = info.num_cores * info.num_subcores
    b_per_w = batch // nw
    assert b_per_w * nw == batch and b_per_w % _L == 0

    mesh = plsc.VectorSubcoreMesh(core_axis_name="c", subcore_axis_name="s")

    mf = pl.kernel(
        functools.partial(_mf_body, b_per_w=b_per_w, num_cores=info.num_cores),
        out_type=jax.ShapeDtypeStruct((batch,), jnp.float32),
        mesh=mesh,
        compiler_params=pltpu.CompilerParams(
            needs_layout_passes=False, use_tc_tiling_on_sc=False),
        scratch_types=[
            pltpu.VMEM((b_per_w,), jnp.int32),
            pltpu.VMEM((b_per_w,), jnp.int32),
            pltpu.VMEM((b_per_w, _F), jnp.float32),
            pltpu.VMEM((b_per_w, _F), jnp.float32),
            pltpu.VMEM((b_per_w,), jnp.float32),
            pltpu.SemaphoreType.DMA,
            pltpu.SemaphoreType.DMA,
        ],
    )
    return mf(user.astype(jnp.int32), item.astype(jnp.int32),
              user_factors, item_factors)

# --- scband reference (transcript-rebuilt; emitter-appended) ---
"""Pipeline reference for scband-mf-24919400251817 (READ-ONLY COPY).

The authoritative reference and input builder live on the scoring server;
editing this copy changes nothing except your own understanding.
"""

import jax, jax.numpy as jnp
import numpy as np

N_USERS = 1000000
N_ITEMS = 1000000
N_FACTORS = 32
BATCH = 16384

def setup_inputs(seed: int = 0) -> dict:
    key = jax.random.key(seed)
    k1, k2, k3, k4 = jax.random.split(key, 4)
    user = jax.random.randint(k1, (BATCH,), 0, N_USERS, dtype=jnp.int64 if jax.config.jax_enable_x64 else jnp.int32)
    item = jax.random.randint(k2, (BATCH,), 0, N_ITEMS, dtype=jnp.int64 if jax.config.jax_enable_x64 else jnp.int32)
    user_factors = jax.random.normal(k3, (N_USERS, N_FACTORS), dtype=jnp.float32)
    item_factors = jax.random.normal(k4, (N_ITEMS, N_FACTORS), dtype=jnp.float32)
    return {"user": user, "item": item, "user_factors": user_factors, "item_factors": item_factors}

def reference(user, item, user_factors, item_factors):
    # MF forward: (user_factors(user) * item_factors(item)).sum(1)
    u = jnp.take(user_factors, user, axis=0)   # gather [B, F]
    v = jnp.take(item_factors, item, axis=0)   # gather [B, F]
    return (u * v).sum(axis=1)                 # [B]

if __name__ == "__main__":
    import jax
    _d = setup_inputs()
    print(jax.jit(kernel)(*tuple(_d.values())))

</pallas_src>

<mosaic_0001>
#map = affine_map<(d0, d1) -> (0)>
#map1 = affine_map<(d0, d1) -> (0, 0)>
module attributes {stable_mosaic.version = 14 : i64} {
  func.func @_mf_body(%arg0: i32, %arg1: i32, %arg2: memref<16384xi32, #tpu.memory_space<hbm>>, %arg3: memref<16384xi32, #tpu.memory_space<hbm>>, %arg4: memref<1000000x32xf32, #tpu.memory_space<hbm>>, %arg5: memref<1000000x32xf32, #tpu.memory_space<hbm>>, %arg6: memref<16384xf32, #tpu.memory_space<hbm>>, %arg7: memref<512xi32, #tpu.memory_space<vmem>>, %arg8: memref<512xi32, #tpu.memory_space<vmem>>, %arg9: memref<512x32xf32, #tpu.memory_space<vmem>>, %arg10: memref<512x32xf32, #tpu.memory_space<vmem>>, %arg11: memref<512xf32, #tpu.memory_space<vmem>>, %arg12: memref<!tpu.dma_semaphore, #tpu.memory_space<semaphore_mem>>, %arg13: memref<!tpu.dma_semaphore, #tpu.memory_space<semaphore_mem>>) attributes {dimension_semantics = [#tpu.dimension_semantics<core_parallel>, #tpu.dimension_semantics<subcore_parallel>], iteration_bounds = array<i64: 2, 16>, scalar_prefetch = 0 : i64, scratch_operands = 7 : i64, tpu.core_type = #tpu.core_type<sc_vector_subcore>, window_params = [{transform_indices = #map}, {transform_indices = #map}, {transform_indices = #map1}, {transform_indices = #map1}, {transform_indices = #map}]} {
    %mul3A = arith.constant 2 : i32
    %mul3A_0 = arith.muli %arg1, %mul3A : i32
    %add3A = arith.addi %mul3A_0, %arg0 : i32
    %mul3A_1 = arith.constant 512 : i32
    %mul3A_2 = arith.muli %add3A, %mul3A_1 : i32
    "tpu.region"() ({
      %run_scoped3A = tpu.sem_alloc : memref<!tpu.dma_semaphore, #tpu.memory_space<semaphore_mem>>
      %dma_start3A_262 = tpu.memref_slice %arg2[%mul3A_2] : memref<16384xi32, #tpu.memory_space<hbm>> -> memref<512xi32, #tpu.memory_space<hbm>>
      %dma_start3A_263 = tpu.memref_slice %arg2[%mul3A_2] : memref<16384xi32, #tpu.memory_space<hbm>> -> memref<512xi32, #tpu.memory_space<hbm>>
      tpu.enqueue_dma source(%dma_start3A_263 : memref<512xi32, #tpu.memory_space<hbm>>) target(%arg7 : memref<512xi32, #tpu.memory_space<vmem>>) target_semaphore(%run_scoped3A : memref<!tpu.dma_semaphore, #tpu.memory_space<semaphore_mem>>)
      %dma_wait3A_264 = tpu.memref_slice %arg2[%mul3A_2] : memref<16384xi32, #tpu.memory_space<hbm>> -> memref<512xi32, #tpu.memory_space<hbm>>
      %dma_wait3A_265 = tpu.memref_slice %arg2[%mul3A_2] : memref<16384xi32, #tpu.memory_space<hbm>> -> memref<512xi32, #tpu.memory_space<hbm>>
      tpu.wait_dma2 semaphore(%run_scoped3A : memref<!tpu.dma_semaphore, #tpu.memory_space<semaphore_mem>>) src(%dma_wait3A_265 : memref<512xi32, #tpu.memory_space<hbm>>) dst(%arg7 : memref<512xi32, #tpu.memory_space<vmem>>)
      tpu.yield
    }) : () -> ()
    "tpu.region"() ({
      %run_scoped3A = tpu.sem_alloc : memref<!tpu.dma_semaphore, #tpu.memory_space<semaphore_mem>>
      %dma_start3A_262 = tpu.memref_slice %arg3[%mul3A_2] : memref<16384xi32, #tpu.memory_space<hbm>> -> memref<512xi32, #tpu.memory_space<hbm>>
      %dma_start3A_263 = tpu.memref_slice %arg3[%mul3A_2] : memref<16384xi32, #tpu.memory_space<hbm>> -> memref<512xi32, #tpu.memory_space<hbm>>
      tpu.enqueue_dma source(%dma_start3A_263 : memref<512xi32, #tpu.memory_space<hbm>>) target(%arg8 : memref<512xi32, #tpu.memory_space<vmem>>) target_semaphore(%run_scoped3A : memref<!tpu.dma_semaphore, #tpu.memory_space<semaphore_mem>>)
      %dma_wait3A_264 = tpu.memref_slice %arg3[%mul3A_2] : memref<16384xi32, #tpu.memory_space<hbm>> -> memref<512xi32, #tpu.memory_space<hbm>>
      %dma_wait3A_265 = tpu.memref_slice %arg3[%mul3A_2] : memref<16384xi32, #tpu.memory_space<hbm>> -> memref<512xi32, #tpu.memory_space<hbm>>
      tpu.wait_dma2 semaphore(%run_scoped3A : memref<!tpu.dma_semaphore, #tpu.memory_space<semaphore_mem>>) src(%dma_wait3A_265 : memref<512xi32, #tpu.memory_space<hbm>>) dst(%arg8 : memref<512xi32, #tpu.memory_space<vmem>>)
      tpu.yield
    }) : () -> ()
    %dma_start3A = arith.constant 0 : i32
    %dma_start3A_3 = arith.constant 0 : i32
    %dma_start3A_4 = tpu.memref_slice %arg9[%dma_start3A, %dma_start3A_3] : memref<512x32xf32, #tpu.memory_space<vmem>> -> memref<64x32xf32, #tpu.memory_space<vmem>>
    %dma_start3A_5 = arith.constant 0 : i32
    %dma_start3A_6 = tpu.memref_slice %arg7[%dma_start3A_5] : memref<512xi32, #tpu.memory_space<vmem>> -> memref<64xi32, #tpu.memory_space<vmem>>
    %dma_start3A_7 = arith.constant 0 : i32
    %dma_start3A_8 = arith.constant 0 : i32
    %dma_start3A_9 = tpu.memref_slice %arg4[%dma_start3A_7, %dma_start3A_8] : memref<1000000x32xf32, #tpu.memory_space<hbm>> -> memref<1000000x32xf32, #tpu.memory_space<hbm>>
    tpu.enqueue_indirect_dma source(%dma_start3A_9 : memref<1000000x32xf32, #tpu.memory_space<hbm>>) target(%dma_start3A_4 : memref<64x32xf32, #tpu.memory_space<vmem>>) offsets(%dma_start3A_6 : memref<64xi32, #tpu.memory_space<vmem>>) semaphore(%arg12 : memref<!tpu.dma_semaphore, #tpu.memory_space<semaphore_mem>>)
    %dma_start3A_10 = arith.constant 0 : i32
    %dma_start3A_11 = arith.constant 0 : i32
    %dma_start3A_12 = tpu.memref_slice %arg10[%dma_start3A_10, %dma_start3A_11] : memref<512x32xf32, #tpu.memory_space<vmem>> -> memref<64x32xf32, #tpu.memory_space<vmem>>
    %dma_start3A_13 = arith.constant 0 : i32
    %dma_start3A_14 = tpu.memref_slice %arg8[%dma_start3A_13] : memref<512xi32, #tpu.memory_space<vmem>> -> memref<64xi32, #tpu.memory_space<vmem>>
    %dma_start3A_15 = arith.constant 0 : i32
    %dma_start3A_16 = arith.constant 0 : i32
    %dma_start3A_17 = tpu.memref_slice %arg5[%dma_start3A_15, %dma_start3A_16] : memref<1000000x32xf32, #tpu.memory_space<hbm>> -> memref<1000000x32xf32, #tpu.memory_space<hbm>>
    tpu.enqueue_indirect_dma source(%dma_start3A_17 : memref<1000000x32xf32, #tpu.memory_space<hbm>>) target(%dma_start3A_12 : memref<64x32xf32, #tpu.memory_space<vmem>>) offsets(%dma_start3A_14 : memref<64xi32, #tpu.memory_space<vmem>>) semaphore(%arg13 : memref<!tpu.dma_semaphore, #tpu.memory_space<semaphore_mem>>)
    %dma_start3A_18 = arith.constant 64 : i32
    %dma_start3A_19 = arith.constant 0 : i32
    %dma_start3A_20 = tpu.memref_slice %arg9[%dma_start3A_18, %dma_start3A_19] : memref<512x32xf32, #tpu.memory_space<vmem>> -> memref<64x32xf32, #tpu.memory_space<vmem>>
    %dma_start3A_21 = arith.constant 64 : i32
    %dma_start3A_22 = tpu.memref_slice %arg7[%dma_start3A_21] : memref<512xi32, #tpu.memory_space<vmem>> -> memref<64xi32, #tpu.memory_space<vmem>>
    %dma_start3A_23 = arith.constant 0 : i32
    %dma_start3A_24 = arith.constant 0 : i32
    %dma_start3A_25 = tpu.memref_slice %arg4[%dma_start3A_23, %dma_start3A_24] : memref<1000000x32xf32, #tpu.memory_space<hbm>> -> memref<1000000x32xf32, #tpu.memory_space<hbm>>
    tpu.enqueue_indirect_dma source(%dma_start3A_25 : memref<1000000x32xf32, #tpu.memory_space<hbm>>) target(%dma_start3A_20 : memref<64x32xf32, #tpu.memory_space<vmem>>) offsets(%dma_start3A_22 : memref<64xi32, #tpu.memory_space<vmem>>) semaphore(%arg12 : memref<!tpu.dma_semaphore, #tpu.memory_space<semaphore_mem>>)
    %dma_start3A_26 = arith.constant 64 : i32
    %dma_start3A_27 = arith.constant 0 : i32
    %dma_start3A_28 = tpu.memref_slice %arg10[%dma_start3A_26, %dma_start3A_27] : memref<512x32xf32, #tpu.memory_space<vmem>> -> memref<64x32xf32, #tpu.memory_space<vmem>>
    %dma_start3A_29 = arith.constant 64 : i32
    %dma_start3A_30 = tpu.memref_slice %arg8[%dma_start3A_29] : memref<512xi32, #tpu.memory_space<vmem>> -> memref<64xi32, #tpu.memory_space<vmem>>
    %dma_start3A_31 = arith.constant 0 : i32
    %dma_start3A_32 = arith.constant 0 : i32
    %dma_start3A_33 = tpu.memref_slice %arg5[%dma_start3A_31, %dma_start3A_32] : memref<1000000x32xf32, #tpu.memory_space<hbm>> -> memref<1000000x32xf32, #tpu.memory_space<hbm>>
    tpu.enqueue_indirect_dma source(%dma_start3A_33 : memref<1000000x32xf32, #tpu.memory_space<hbm>>) target(%dma_start3A_28 : memref<64x32xf32, #tpu.memory_space<vmem>>) offsets(%dma_start3A_30 : memref<64xi32, #tpu.memory_space<vmem>>) semaphore(%arg13 : memref<!tpu.dma_semaphore, #tpu.memory_space<semaphore_mem>>)
    %dma_start3A_34 = arith.constant 128 : i32
    %dma_start3A_35 = arith.constant 0 : i32
    %dma_start3A_36 = tpu.memref_slice %arg9[%dma_start3A_34, %dma_start3A_35] : memref<512x32xf32, #tpu.memory_space<vmem>> -> memref<64x32xf32, #tpu.memory_space<vmem>>
    %dma_start3A_37 = arith.constant 128 : i32
    %dma_start3A_38 = tpu.memref_slice %arg7[%dma_start3A_37] : memref<512xi32, #tpu.memory_space<vmem>> -> memref<64xi32, #tpu.memory_space<vmem>>
    %dma_start3A_39 = arith.constant 0 : i32
    %dma_start3A_40 = arith.constant 0 : i32
    %dma_start3A_41 = tpu.memref_slice %arg4[%dma_start3A_39, %dma_start3A_40] : memref<1000000x32xf32, #tpu.memory_space<hbm>> -> memref<1000000x32xf32, #tpu.memory_space<hbm>>
    tpu.enqueue_indirect_dma source(%dma_start3A_41 : memref<1000000x32xf32, #tpu.memory_space<hbm>>) target(%dma_start3A_36 : memref<64x32xf32, #tpu.memory_space<vmem>>) offsets(%dma_start3A_38 : memref<64xi32, #tpu.memory_space<vmem>>) semaphore(%arg12 : memref<!tpu.dma_semaphore, #tpu.memory_space<semaphore_mem>>)
    %dma_start3A_42 = arith.constant 128 : i32
    %dma_start3A_43 = arith.constant 0 : i32
    %dma_start3A_44 = tpu.memref_slice %arg10[%dma_start3A_42, %dma_start3A_43] : memref<512x32xf32, #tpu.memory_space<vmem>> -> memref<64x32xf32, #tpu.memory_space<vmem>>
    %dma_start3A_45 = arith.constant 128 : i32
    %dma_start3A_46 = tpu.memref_slice %arg8[%dma_start3A_45] : memref<512xi32, #tpu.memory_space<vmem>> -> memref<64xi32, #tpu.memory_space<vmem>>
    %dma_start3A_47 = arith.constant 0 : i32
    %dma_start3A_48 = arith.constant 0 : i32
    %dma_start3A_49 = tpu.memref_slice %arg5[%dma_start3A_47, %dma_start3A_48] : memref<1000000x32xf32, #tpu.memory_space<hbm>> -> memref<1000000x32xf32, #tpu.memory_space<hbm>>
    tpu.enqueue_indirect_dma source(%dma_start3A_49 : memref<1000000x32xf32, #tpu.memory_space<hbm>>) target(%dma_start3A_44 : memref<64x32xf32, #tpu.memory_space<vmem>>) offsets(%dma_start3A_46 : memref<64xi32, #tpu.memory_space<vmem>>) semaphore(%arg13 : memref<!tpu.dma_semaphore, #tpu.memory_space<semaphore_mem>>)
    %dma_start3A_50 = arith.constant 192 : i32
    %dma_start3A_51 = arith.constant 0 : i32
    %dma_start3A_52 = tpu.memref_slice %arg9[%dma_start3A_50, %dma_start3A_51] : memref<512x32xf32, #tpu.memory_space<vmem>> -> memref<64x32xf32, #tpu.memory_space<vmem>>
    %dma_start3A_53 = arith.constant 192 : i32
    %dma_start3A_54 = tpu.memref_slice %arg7[%dma_start3A_53] : memref<512xi32, #tpu.memory_space<vmem>> -> memref<64xi32, #tpu.memory_space<vmem>>
    %dma_start3A_55 = arith.constant 0 : i32
    %dma_start3A_56 = arith.constant 0 : i32
    %dma_start3A_57 = tpu.memref_slice %arg4[%dma_start3A_55, %dma_start3A_56] : memref<1000000x32xf32, #tpu.memory_space<hbm>> -> memref<1000000x32xf32, #tpu.memory_space<hbm>>
    tpu.enqueue_indirect_dma source(%dma_start3A_57 : memref<1000000x32xf32, #tpu.memory_space<hbm>>) target(%dma_start3A_52 : memref<64x32xf32, #tpu.memory_space<vmem>>) offsets(%dma_start3A_54 : memref<64xi32, #tpu.memory_space<vmem>>) semaphore(%arg12 : memref<!tpu.dma_semaphore, #tpu.memory_space<semaphore_mem>>)
    %dma_start3A_58 = arith.constant 192 : i32
    %dma_start3A_59 = arith.constant 0 : i32
    %dma_start3A_60 = tpu.memref_slice %arg10[%dma_start3A_58, %dma_start3A_59] : memref<512x32xf32, #tpu.memory_space<vmem>> -> memref<64x32xf32, #tpu.memory_space<vmem>>
    %dma_start3A_61 = arith.constant 192 : i32
    %dma_start3A_62 = tpu.memref_slice %arg8[%dma_start3A_61] : memref<512xi32, #tpu.memory_space<vmem>> -> memref<64xi32, #tpu.memory_space<vmem>>
    %dma_start3A_63 = arith.constant 0 : i32
    %dma_start3A_64 = arith.constant 0 : i32
    %dma_start3A_65 = tpu.memref_slice %arg5[%dma_start3A_63, %dma_start3A_64] : memref<1000000x32xf32, #tpu.memory_space<hbm>> -> memref<1000000x32xf32, #tpu.memory_space<hbm>>
    tpu.enqueue_indirect_dma source(%dma_start3A_65 : memref<1000000x32xf32, #tpu.memory_space<hbm>>) target(%dma_start3A_60 : memref<64x32xf32, #tpu.memory_space<vmem>>) offsets(%dma_start3A_62 : memref<64xi32, #tpu.memory_space<vmem>>) semaphore(%arg13 : memref<!tpu.dma_semaphore, #tpu.memory_space<semaphore_mem>>)
    %dma_start3A_66 = arith.constant 256 : i32
    %dma_start3A_67 = arith.constant 0 : i32
    %dma_start3A_68 = tpu.memref_slice %arg9[%dma_start3A_66, %dma_start3A_67] : memref<512x32xf32, #tpu.memory_space<vmem>> -> memref<64x32xf32, #tpu.memory_space<vmem>>
    %dma_start3A_69 = arith.constant 256 : i32
    %dma_start3A_70 = tpu.memref_slice %arg7[%dma_start3A_69] : memref<512xi32, #tpu.memory_space<vmem>> -> memref<64xi32, #tpu.memory_space<vmem>>
    %dma_start3A_71 = arith.constant 0 : i32
    %dma_start3A_72 = arith.constant 0 : i32
    %dma_start3A_73 = tpu.memref_slice %arg4[%dma_start3A_71, %dma_start3A_72] : memref<1000000x32xf32, #tpu.memory_space<hbm>> -> memref<1000000x32xf32, #tpu.memory_space<hbm>>
    tpu.enqueue_indirect_dma source(%dma_start3A_73 : memref<1000000x32xf32, #tpu.memory_space<hbm>>) target(%dma_start3A_68 : memref<64x32xf32, #tpu.memory_space<vmem>>) offsets(%dma_start3A_70 : memref<64xi32, #tpu.memory_space<vmem>>) semaphore(%arg12 : memref<!tpu.dma_semaphore, #tpu.memory_space<semaphore_mem>>)
    %dma_start3A_74 = arith.constant 256 : i32
    %dma_start3A_75 = arith.constant 0 : i32
    %dma_start3A_76 = tpu.memref_slice %arg10[%dma_start3A_74, %dma_start3A_75] : memref<512x32xf32, #tpu.memory_space<vmem>> -> memref<64x32xf32, #tpu.memory_space<vmem>>
    %dma_start3A_77 = arith.constant 256 : i32
    %dma_start3A_78 = tpu.memref_slice %arg8[%dma_start3A_77] : memref<512xi32, #tpu.memory_space<vmem>> -> memref<64xi32, #tpu.memory_space<vmem>>
    %dma_start3A_79 = arith.constant 0 : i32
    %dma_start3A_80 = arith.constant 0 : i32
    %dma_start3A_81 = tpu.memref_slice %arg5[%dma_start3A_79, %dma_start3A_80] : memref<1000000x32xf32, #tpu.memory_space<hbm>> -> memref<1000000x32xf32, #tpu.memory_space<hbm>>
    tpu.enqueue_indirect_dma source(%dma_start3A_81 : memref<1000000x32xf32, #tpu.memory_space<hbm>>) target(%dma_start3A_76 : memref<64x32xf32, #tpu.memory_space<vmem>>) offsets(%dma_start3A_78 : memref<64xi32, #tpu.memory_space<vmem>>) semaphore(%arg13 : memref<!tpu.dma_semaphore, #tpu.memory_space<semaphore_mem>>)
    %dma_start3A_82 = arith.constant 320 : i32
    %dma_start3A_83 = arith.constant 0 : i32
    %dma_start3A_84 = tpu.memref_slice %arg9[%dma_start3A_82, %dma_start3A_83] : memref<512x32xf32, #tpu.memory_space<vmem>> -> memref<64x32xf32, #tpu.memory_space<vmem>>
    %dma_start3A_85 = arith.constant 320 : i32
    %dma_start3A_86 = tpu.memref_slice %arg7[%dma_start3A_85] : memref<512xi32, #tpu.memory_space<vmem>> -> memref<64xi32, #tpu.memory_space<vmem>>
    %dma_start3A_87 = arith.constant 0 : i32
    %dma_start3A_88 = arith.constant 0 : i32
    %dma_start3A_89 = tpu.memref_slice %arg4[%dma_start3A_87, %dma_start3A_88] : memref<1000000x32xf32, #tpu.memory_space<hbm>> -> memref<1000000x32xf32, #tpu.memory_space<hbm>>
    tpu.enqueue_indirect_dma source(%dma_start3A_89 : memref<1000000x32xf32, #tpu.memory_space<hbm>>) target(%dma_start3A_84 : memref<64x32xf32, #tpu.memory_space<vmem>>) offsets(%dma_start3A_86 : memref<64xi32, #tpu.memory_space<vmem>>) semaphore(%arg12 : memref<!tpu.dma_semaphore, #tpu.memory_space<semaphore_mem>>)
    %dma_start3A_90 = arith.constant 320 : i32
    %dma_start3A_91 = arith.constant 0 : i32
    %dma_start3A_92 = tpu.memref_slice %arg10[%dma_start3A_90, %dma_start3A_91] : memref<512x32xf32, #tpu.memory_space<vmem>> -> memref<64x32xf32, #tpu.memory_space<vmem>>
    %dma_start3A_93 = arith.constant 320 : i32
    %dma_start3A_94 = tpu.memref_slice %arg8[%dma_start3A_93] : memref<512xi32, #tpu.memory_space<vmem>> -> memref<64xi32, #tpu.memory_space<vmem>>
    %dma_start3A_95 = arith.constant 0 : i32
    %dma_start3A_96 = arith.constant 0 : i32
    %dma_start3A_97 = tpu.memref_slice %arg5[%dma_start3A_95, %dma_start3A_96] : memref<1000000x32xf32, #tpu.memory_space<hbm>> -> memref<1000000x32xf32, #tpu.memory_space<hbm>>
    tpu.enqueue_indirect_dma source(%dma_start3A_97 : memref<1000000x32xf32, #tpu.memory_space<hbm>>) target(%dma_start3A_92 : memref<64x32xf32, #tpu.memory_space<vmem>>) offsets(%dma_start3A_94 : memref<64xi32, #tpu.memory_space<vmem>>) semaphore(%arg13 : memref<!tpu.dma_semaphore, #tpu.memory_space<semaphore_mem>>)
    %dma_start3A_98 = arith.constant 384 : i32
    %dma_start3A_99 = arith.constant 0 : i32
    %dma_start3A_100 = tpu.memref_slice %arg9[%dma_start3A_98, %dma_start3A_99] : memref<512x32xf32, #tpu.memory_space<vmem>> -> memref<64x32xf32, #tpu.memory_space<vmem>>
    %dma_start3A_101 = arith.constant 384 : i32
    %dma_start3A_102 = tpu.memref_slice %arg7[%dma_start3A_101] : memref<512xi32, #tpu.memory_space<vmem>> -> memref<64xi32, #tpu.memory_space<vmem>>
    %dma_start3A_103 = arith.constant 0 : i32
    %dma_start3A_104 = arith.constant 0 : i32
    %dma_start3A_105 = tpu.memref_slice %arg4[%dma_start3A_103, %dma_start3A_104] : memref<1000000x32xf32, #tpu.memory_space<hbm>> -> memref<1000000x32xf32, #tpu.memory_space<hbm>>
    tpu.enqueue_indirect_dma source(%dma_start3A_105 : memref<1000000x32xf32, #tpu.memory_space<hbm>>) target(%dma_start3A_100 : memref<64x32xf32, #tpu.memory_space<vmem>>) offsets(%dma_start3A_102 : memref<64xi32, #tpu.memory_space<vmem>>) semaphore(%arg12 : memref<!tpu.dma_semaphore, #tpu.memory_space<semaphore_mem>>)
    %dma_start3A_106 = arith.constant 384 : i32
    %dma_start3A_107 = arith.constant 0 : i32
    %dma_start3A_108 = tpu.memref_slice %arg10[%dma_start3A_106, %dma_start3A_107] : memref<512x32xf32, #tpu.memory_space<vmem>> -> memref<64x32xf32, #tpu.memory_space<vmem>>
    %dma_start3A_109 = arith.constant 384 : i32
    %dma_start3A_110 = tpu.memref_slice %arg8[%dma_start3A_109] : memref<512xi32, #tpu.memory_space<vmem>> -> memref<64xi32, #tpu.memory_space<vmem>>
    %dma_start3A_111 = arith.constant 0 : i32
    %dma_start3A_112 = arith.constant 0 : i32
    %dma_start3A_113 = tpu.memref_slice %arg5[%dma_start3A_111, %dma_start3A_112] : memref<1000000x32xf32, #tpu.memory_space<hbm>> -> memref<1000000x32xf32, #tpu.memory_space<hbm>>
    tpu.enqueue_indirect_dma source(%dma_start3A_113 : memref<1000000x32xf32, #tpu.memory_space<hbm>>) target(%dma_start3A_108 : memref<64x32xf32, #tpu.memory_space<vmem>>) offsets(%dma_start3A_110 : memref<64xi32, #tpu.memory_space<vmem>>) semaphore(%arg13 : memref<!tpu.dma_semaphore, #tpu.memory_space<semaphore_mem>>)
    %dma_start3A_114 = arith.constant 448 : i32
    %dma_start3A_115 = arith.constant 0 : i32
    %dma_start3A_116 = tpu.memref_slice %arg9[%dma_start3A_114, %dma_start3A_115] : memref<512x32xf32, #tpu.memory_space<vmem>> -> memref<64x32xf32, #tpu.memory_space<vmem>>
    %dma_start3A_117 = arith.constant 448 : i32
    %dma_start3A_118 = tpu.memref_slice %arg7[%dma_start3A_117] : memref<512xi32, #tpu.memory_space<vmem>> -> memref<64xi32, #tpu.memory_space<vmem>>
    %dma_start3A_119 = arith.constant 0 : i32
    %dma_start3A_120 = arith.constant 0 : i32
    %dma_start3A_121 = tpu.memref_slice %arg4[%dma_start3A_119, %dma_start3A_120] : memref<1000000x32xf32, #tpu.memory_space<hbm>> -> memref<1000000x32xf32, #tpu.memory_space<hbm>>
    tpu.enqueue_indirect_dma source(%dma_start3A_121 : memref<1000000x32xf32, #tpu.memory_space<hbm>>) target(%dma_start3A_116 : memref<64x32xf32, #tpu.memory_space<vmem>>) offsets(%dma_start3A_118 : memref<64xi32, #tpu.memory_space<vmem>>) semaphore(%arg12 : memref<!tpu.dma_semaphore, #tpu.memory_space<semaphore_mem>>)
    %dma_start3A_122 = arith.constant 448 : i32
    %dma_start3A_123 = arith.constant 0 : i32
    %dma_start3A_124 = tpu.memref_slice %arg10[%dma_start3A_122, %dma_start3A_123] : memref<512x32xf32, #tpu.memory_space<vmem>> -> memref<64x32xf32, #tpu.memory_space<vmem>>
    %dma_start3A_125 = arith.constant 448 : i32
    %dma_start3A_126 = tpu.memref_slice %arg8[%dma_start3A_125] : memref<512xi32, #tpu.memory_space<vmem>> -> memref<64xi32, #tpu.memory_space<vmem>>
    %dma_start3A_127 = arith.constant 0 : i32
    %dma_start3A_128 = arith.constant 0 : i32
    %dma_start3A_129 = tpu.memref_slice %arg5[%dma_start3A_127, %dma_start3A_128] : memref<1000000x32xf32, #tpu.memory_space<hbm>> -> memref<1000000x32xf32, #tpu.memory_space<hbm>>
    tpu.enqueue_indirect_dma source(%dma_start3A_129 : memref<1000000x32xf32, #tpu.memory_space<hbm>>) target(%dma_start3A_124 : memref<64x32xf32, #tpu.memory_space<vmem>>) offsets(%dma_start3A_126 : memref<64xi32, #tpu.memory_space<vmem>>) semaphore(%arg13 : memref<!tpu.dma_semaphore, #tpu.memory_space<semaphore_mem>>)
    %dma_wait3A = arith.constant 0 : i32
    %dma_wait3A_130 = arith.constant 0 : i32
    %dma_wait3A_131 = tpu.memref_slice %arg9[%dma_wait3A, %dma_wait3A_130] : memref<512x32xf32, #tpu.memory_space<vmem>> -> memref<64x32xf32, #tpu.memory_space<vmem>>
    %dma_wait3A_132 = arith.constant 0 : i32
    %dma_wait3A_133 = tpu.memref_slice %arg7[%dma_wait3A_132] : memref<512xi32, #tpu.memory_space<vmem>> -> memref<64xi32, #tpu.memory_space<vmem>>
    %dma_wait3A_134 = arith.constant 0 : i32
    %dma_wait3A_135 = arith.constant 0 : i32
    %dma_wait3A_136 = tpu.memref_slice %arg4[%dma_wait3A_134, %dma_wait3A_135] : memref<1000000x32xf32, #tpu.memory_space<hbm>> -> memref<1000000x32xf32, #tpu.memory_space<hbm>>
    tpu.wait_indirect_dma semaphore(%arg12 : memref<!tpu.dma_semaphore, #tpu.memory_space<semaphore_mem>>) src(%dma_wait3A_136 : memref<1000000x32xf32, #tpu.memory_space<hbm>>) dst(%dma_wait3A_131 : memref<64x32xf32, #tpu.memory_space<vmem>>)
    %dma_wait3A_137 = arith.constant 0 : i32
    %dma_wait3A_138 = arith.constant 0 : i32
    %dma_wait3A_139 = tpu.memref_slice %arg10[%dma_wait3A_137, %dma_wait3A_138] : memref<512x32xf32, #tpu.memory_space<vmem>> -> memref<64x32xf32, #tpu.memory_space<vmem>>
    %dma_wait3A_140 = arith.constant 0 : i32
    %dma_wait3A_141 = tpu.memref_slice %arg8[%dma_wait3A_140] : memref<512xi32, #tpu.memory_space<vmem>> -> memref<64xi32, #tpu.memory_space<vmem>>
    %dma_wait3A_142 = arith.constant 0 : i32
    %dma_wait3A_143 = arith.constant 0 : i32
    %dma_wait3A_144 = tpu.memref_slice %arg5[%dma_wait3A_142, %dma_wait3A_143] : memref<1000000x32xf32, #tpu.memory_space<hbm>> -> memref<1000000x32xf32, #tpu.memory_space<hbm>>
    tpu.wait_indirect_dma semaphore(%arg13 : memref<!tpu.dma_semaphore, #tpu.memory_space<semaphore_mem>>) src(%dma_wait3A_144 : memref<1000000x32xf32, #tpu.memory_space<hbm>>) dst(%dma_wait3A_139 : memref<64x32xf32, #tpu.memory_space<vmem>>)
    %dma_wait3A_145 = arith.constant 64 : i32
    %dma_wait3A_146 = arith.constant 0 : i32
    %dma_wait3A_147 = tpu.memref_slice %arg9[%dma_wait3A_145, %dma_wait3A_146] : memref<512x32xf32, #tpu.memory_space<vmem>> -> memref<64x32xf32, #tpu.memory_space<vmem>>
    %dma_wait3A_148 = arith.constant 64 : i32
    %dma_wait3A_149 = tpu.memref_slice %arg7[%dma_wait3A_148] : memref<512xi32, #tpu.memory_space<vmem>> -> memref<64xi32, #tpu.memory_space<vmem>>
    %dma_wait3A_150 = arith.constant 0 : i32
    %dma_wait3A_151 = arith.constant 0 : i32
    %dma_wait3A_152 = tpu.memref_slice %arg4[%dma_wait3A_150, %dma_wait3A_151] : memref<1000000x32xf32, #tpu.memory_space<hbm>> -> memref<1000000x32xf32, #tpu.memory_space<hbm>>
    tpu.wait_indirect_dma semaphore(%arg12 : memref<!tpu.dma_semaphore, #tpu.memory_space<semaphore_mem>>) src(%dma_wait3A_152 : memref<1000000x32xf32, #tpu.memory_space<hbm>>) dst(%dma_wait3A_147 : memref<64x32xf32, #tpu.memory_space<vmem>>)
    %dma_wait3A_153 = arith.constant 64 : i32
    %dma_wait3A_154 = arith.constant 0 : i32
    %dma_wait3A_155 = tpu.memref_slice %arg10[%dma_wait3A_153, %dma_wait3A_154] : memref<512x32xf32, #tpu.memory_space<vmem>> -> memref<64x32xf32, #tpu.memory_space<vmem>>
    %dma_wait3A_156 = arith.constant 64 : i32
    %dma_wait3A_157 = tpu.memref_slice %arg8[%dma_wait3A_156] : memref<512xi32, #tpu.memory_space<vmem>> -> memref<64xi32, #tpu.memory_space<vmem>>
    %dma_wait3A_158 = arith.constant 0 : i32
    %dma_wait3A_159 = arith.constant 0 : i32
    %dma_wait3A_160 = tpu.memref_slice %arg5[%dma_wait3A_158, %dma_wait3A_159] : memref<1000000x32xf32, #tpu.memory_space<hbm>> -> memref<1000000x32xf32, #tpu.memory_space<hbm>>
    tpu.wait_indirect_dma semaphore(%arg13 : memref<!tpu.dma_semaphore, #tpu.memory_space<semaphore_mem>>) src(%dma_wait3A_160 : memref<1000000x32xf32, #tpu.memory_space<hbm>>) dst(%dma_wait3A_155 : memref<64x32xf32, #tpu.memory_space<vmem>>)
    %dma_wait3A_161 = arith.constant 128 : i32
    %dma_wait3A_162 = arith.constant 0 : i32
    %dma_wait3A_163 = tpu.memref_slice %arg9[%dma_wait3A_161, %dma_wait3A_162] : memref<512x32xf32, #tpu.memory_space<vmem>> -> memref<64x32xf32, #tpu.memory_space<vmem>>
    %dma_wait3A_164 = arith.constant 128 : i32
    %dma_wait3A_165 = tpu.memref_slice %arg7[%dma_wait3A_164] : memref<512xi32, #tpu.memory_space<vmem>> -> memref<64xi32, #tpu.memory_space<vmem>>
    %dma_wait3A_166 = arith.constant 0 : i32
    %dma_wait3A_167 = arith.constant 0 : i32
    %dma_wait3A_168 = tpu.memref_slice %arg4[%dma_wait3A_166, %dma_wait3A_167] : memref<1000000x32xf32, #tpu.memory_space<hbm>> -> memref<1000000x32xf32, #tpu.memory_space<hbm>>
    tpu.wait_indirect_dma semaphore(%arg12 : memref<!tpu.dma_semaphore, #tpu.memory_space<semaphore_mem>>) src(%dma_wait3A_168 : memref<1000000x32xf32, #tpu.memory_space<hbm>>) dst(%dma_wait3A_163 : memref<64x32xf32, #tpu.memory_space<vmem>>)
    %dma_wait3A_169 = arith.constant 128 : i32
    %dma_wait3A_170 = arith.constant 0 : i32
    %dma_wait3A_171 = tpu.memref_slice %arg10[%dma_wait3A_169, %dma_wait3A_170] : memref<512x32xf32, #tpu.memory_space<vmem>> -> memref<64x32xf32, #tpu.memory_space<vmem>>
    %dma_wait3A_172 = arith.constant 128 : i32
    %dma_wait3A_173 = tpu.memref_slice %arg8[%dma_wait3A_172] : memref<512xi32, #tpu.memory_space<vmem>> -> memref<64xi32, #tpu.memory_space<vmem>>
    %dma_wait3A_174 = arith.constant 0 : i32
    %dma_wait3A_175 = arith.constant 0 : i32
    %dma_wait3A_176 = tpu.memref_slice %arg5[%dma_wait3A_174, %dma_wait3A_175] : memref<1000000x32xf32, #tpu.memory_space<hbm>> -> memref<1000000x32xf32, #tpu.memory_space<hbm>>
    tpu.wait_indirect_dma semaphore(%arg13 : memref<!tpu.dma_semaphore, #tpu.memory_space<semaphore_mem>>) src(%dma_wait3A_176 : memref<1000000x32xf32, #tpu.memory_space<hbm>>) dst(%dma_wait3A_171 : memref<64x32xf32, #tpu.memory_space<vmem>>)
    %dma_wait3A_177 = arith.constant 192 : i32
    %dma_wait3A_178 = arith.constant 0 : i32
    %dma_wait3A_179 = tpu.memref_slice %arg9[%dma_wait3A_177, %dma_wait3A_178] : memref<512x32xf32, #tpu.memory_space<vmem>> -> memref<64x32xf32, #tpu.memory_space<vmem>>
    %dma_wait3A_180 = arith.constant 192 : i32
    %dma_wait3A_181 = tpu.memref_slice %arg7[%dma_wait3A_180] : memref<512xi32, #tpu.memory_space<vmem>> -> memref<64xi32, #tpu.memory_space<vmem>>
    %dma_wait3A_182 = arith.constant 0 : i32
    %dma_wait3A_183 = arith.constant 0 : i32
    %dma_wait3A_184 = tpu.memref_slice %arg4[%dma_wait3A_182, %dma_wait3A_183] : memref<1000000x32xf32, #tpu.memory_space<hbm>> -> memref<1000000x32xf32, #tpu.memory_space<hbm>>
    tpu.wait_indirect_dma semaphore(%arg12 : memref<!tpu.dma_semaphore, #tpu.memory_space<semaphore_mem>>) src(%dma_wait3A_184 : memref<1000000x32xf32, #tpu.memory_space<hbm>>) dst(%dma_wait3A_179 : memref<64x32xf32, #tpu.memory_space<vmem>>)
    %dma_wait3A_185 = arith.constant 192 : i32
    %dma_wait3A_186 = arith.constant 0 : i32
    %dma_wait3A_187 = tpu.memref_slice %arg10[%dma_wait3A_185, %dma_wait3A_186] : memref<512x32xf32, #tpu.memory_space<vmem>> -> memref<64x32xf32, #tpu.memory_space<vmem>>
    %dma_wait3A_188 = arith.constant 192 : i32
    %dma_wait3A_189 = tpu.memref_slice %arg8[%dma_wait3A_188] : memref<512xi32, #tpu.memory_space<vmem>> -> memref<64xi32, #tpu.memory_space<vmem>>
    %dma_wait3A_190 = arith.constant 0 : i32
    %dma_wait3A_191 = arith.constant 0 : i32
    %dma_wait3A_192 = tpu.memref_slice %arg5[%dma_wait3A_190, %dma_wait3A_191] : memref<1000000x32xf32, #tpu.memory_space<hbm>> -> memref<1000000x32xf32, #tpu.memory_space<hbm>>
    tpu.wait_indirect_dma semaphore(%arg13 : memref<!tpu.dma_semaphore, #tpu.memory_space<semaphore_mem>>) src(%dma_wait3A_192 : memref<1000000x32xf32, #tpu.memory_space<hbm>>) dst(%dma_wait3A_187 : memref<64x32xf32, #tpu.memory_space<vmem>>)
    %dma_wait3A_193 = arith.constant 256 : i32
    %dma_wait3A_194 = arith.constant 0 : i32
    %dma_wait3A_195 = tpu.memref_slice %arg9[%dma_wait3A_193, %dma_wait3A_194] : memref<512x32xf32, #tpu.memory_space<vmem>> -> memref<64x32xf32, #tpu.memory_space<vmem>>
    %dma_wait3A_196 = arith.constant 256 : i32
    %dma_wait3A_197 = tpu.memref_slice %arg7[%dma_wait3A_196] : memref<512xi32, #tpu.memory_space<vmem>> -> memref<64xi32, #tpu.memory_space<vmem>>
    %dma_wait3A_198 = arith.constant 0 : i32
    %dma_wait3A_199 = arith.constant 0 : i32
    %dma_wait3A_200 = tpu.memref_slice %arg4[%dma_wait3A_198, %dma_wait3A_199] : memref<1000000x32xf32, #tpu.memory_space<hbm>> -> memref<1000000x32xf32, #tpu.memory_space<hbm>>
    tpu.wait_indirect_dma semaphore(%arg12 : memref<!tpu.dma_semaphore, #tpu.memory_space<semaphore_mem>>) src(%dma_wait3A_200 : memref<1000000x32xf32, #tpu.memory_space<hbm>>) dst(%dma_wait3A_195 : memref<64x32xf32, #tpu.memory_space<vmem>>)
    %dma_wait3A_201 = arith.constant 256 : i32
    %dma_wait3A_202 = arith.constant 0 : i32
    %dma_wait3A_203 = tpu.memref_slice %arg10[%dma_wait3A_201, %dma_wait3A_202] : memref<512x32xf32, #tpu.memory_space<vmem>> -> memref<64x32xf32, #tpu.memory_space<vmem>>
    %dma_wait3A_204 = arith.constant 256 : i32
    %dma_wait3A_205 = tpu.memref_slice %arg8[%dma_wait3A_204] : memref<512xi32, #tpu.memory_space<vmem>> -> memref<64xi32, #tpu.memory_space<vmem>>
    %dma_wait3A_206 = arith.constant 0 : i32
    %dma_wait3A_207 = arith.constant 0 : i32
    %dma_wait3A_208 = tpu.memref_slice %arg5[%dma_wait3A_206, %dma_wait3A_207] : memref<1000000x32xf32, #tpu.memory_space<hbm>> -> memref<1000000x32xf32, #tpu.memory_space<hbm>>
    tpu.wait_indirect_dma semaphore(%arg13 : memref<!tpu.dma_semaphore, #tpu.memory_space<semaphore_mem>>) src(%dma_wait3A_208 : memref<1000000x32xf32, #tpu.memory_space<hbm>>) dst(%dma_wait3A_203 : memref<64x32xf32, #tpu.memory_space<vmem>>)
    %dma_wait3A_209 = arith.constant 320 : i32
    %dma_wait3A_210 = arith.constant 0 : i32
    %dma_wait3A_211 = tpu.memref_slice %arg9[%dma_wait3A_209, %dma_wait3A_210] : memref<512x32xf32, #tpu.memory_space<vmem>> -> memref<64x32xf32, #tpu.memory_space<vmem>>
    %dma_wait3A_212 = arith.constant 320 : i32
    %dma_wait3A_213 = tpu.memref_slice %arg7[%dma_wait3A_212] : memref<512xi32, #tpu.memory_space<vmem>> -> memref<64xi32, #tpu.memory_space<vmem>>
    %dma_wait3A_214 = arith.constant 0 : i32
    %dma_wait3A_215 = arith.constant 0 : i32
    %dma_wait3A_216 = tpu.memref_slice %arg4[%dma_wait3A_214, %dma_wait3A_215] : memref<1000000x32xf32, #tpu.memory_space<hbm>> -> memref<1000000x32xf32, #tpu.memory_space<hbm>>
    tpu.wait_indirect_dma semaphore(%arg12 : memref<!tpu.dma_semaphore, #tpu.memory_space<semaphore_mem>>) src(%dma_wait3A_216 : memref<1000000x32xf32, #tpu.memory_space<hbm>>) dst(%dma_wait3A_211 : memref<64x32xf32, #tpu.memory_space<vmem>>)
    %dma_wait3A_217 = arith.constant 320 : i32
    %dma_wait3A_218 = arith.constant 0 : i32
    %dma_wait3A_219 = tpu.memref_slice %arg10[%dma_wait3A_217, %dma_wait3A_218] : memref<512x32xf32, #tpu.memory_space<vmem>> -> memref<64x32xf32, #tpu.memory_space<vmem>>
    %dma_wait3A_220 = arith.constant 320 : i32
    %dma_wait3A_221 = tpu.memref_slice %arg8[%dma_wait3A_220] : memref<512xi32, #tpu.memory_space<vmem>> -> memref<64xi32, #tpu.memory_space<vmem>>
    %dma_wait3A_222 = arith.constant 0 : i32
    %dma_wait3A_223 = arith.constant 0 : i32
    %dma_wait3A_224 = tpu.memref_slice %arg5[%dma_wait3A_222, %dma_wait3A_223] : memref<1000000x32xf32, #tpu.memory_space<hbm>> -> memref<1000000x32xf32, #tpu.memory_space<hbm>>
    tpu.wait_indirect_dma semaphore(%arg13 : memref<!tpu.dma_semaphore, #tpu.memory_space<semaphore_mem>>) src(%dma_wait3A_224 : memref<1000000x32xf32, #tpu.memory_space<hbm>>) dst(%dma_wait3A_219 : memref<64x32xf32, #tpu.memory_space<vmem>>)
    %dma_wait3A_225 = arith.constant 384 : i32
    %dma_wait3A_226 = arith.constant 0 : i32
    %dma_wait3A_227 = tpu.memref_slice %arg9[%dma_wait3A_225, %dma_wait3A_226] : memref<512x32xf32, #tpu.memory_space<vmem>> -> memref<64x32xf32, #tpu.memory_space<vmem>>
    %dma_wait3A_228 = arith.constant 384 : i32
    %dma_wait3A_229 = tpu.memref_slice %arg7[%dma_wait3A_228] : memref<512xi32, #tpu.memory_space<vmem>> -> memref<64xi32, #tpu.memory_space<vmem>>
    %dma_wait3A_230 = arith.constant 0 : i32
    %dma_wait3A_231 = arith.constant 0 : i32
    %dma_wait3A_232 = tpu.memref_slice %arg4[%dma_wait3A_230, %dma_wait3A_231] : memref<1000000x32xf32, #tpu.memory_space<hbm>> -> memref<1000000x32xf32, #tpu.memory_space<hbm>>
    tpu.wait_indirect_dma semaphore(%arg12 : memref<!tpu.dma_semaphore, #tpu.memory_space<semaphore_mem>>) src(%dma_wait3A_232 : memref<1000000x32xf32, #tpu.memory_space<hbm>>) dst(%dma_wait3A_227 : memref<64x32xf32, #tpu.memory_space<vmem>>)
    %dma_wait3A_233 = arith.constant 384 : i32
    %dma_wait3A_234 = arith.constant 0 : i32
    %dma_wait3A_235 = tpu.memref_slice %arg10[%dma_wait3A_233, %dma_wait3A_234] : memref<512x32xf32, #tpu.memory_space<vmem>> -> memref<64x32xf32, #tpu.memory_space<vmem>>
    %dma_wait3A_236 = arith.constant 384 : i32
    %dma_wait3A_237 = tpu.memref_slice %arg8[%dma_wait3A_236] : memref<512xi32, #tpu.memory_space<vmem>> -> memref<64xi32, #tpu.memory_space<vmem>>
    %dma_wait3A_238 = arith.constant 0 : i32
    %dma_wait3A_239 = arith.constant 0 : i32
    %dma_wait3A_240 = tpu.memref_slice %arg5[%dma_wait3A_238, %dma_wait3A_239] : memref<1000000x32xf32, #tpu.memory_space<hbm>> -> memref<1000000x32xf32, #tpu.memory_space<hbm>>
    tpu.wait_indirect_dma semaphore(%arg13 : memref<!tpu.dma_semaphore, #tpu.memory_space<semaphore_mem>>) src(%dma_wait3A_240 : memref<1000000x32xf32, #tpu.memory_space<hbm>>) dst(%dma_wait3A_235 : memref<64x32xf32, #tpu.memory_space<vmem>>)
    %dma_wait3A_241 = arith.constant 448 : i32
    %dma_wait3A_242 = arith.constant 0 : i32
    %dma_wait3A_243 = tpu.memref_slice %arg9[%dma_wait3A_241, %dma_wait3A_242] : memref<512x32xf32, #tpu.memory_space<vmem>> -> memref<64x32xf32, #tpu.memory_space<vmem>>
    %dma_wait3A_244 = arith.constant 448 : i32
    %dma_wait3A_245 = tpu.memref_slice %arg7[%dma_wait3A_244] : memref<512xi32, #tpu.memory_space<vmem>> -> memref<64xi32, #tpu.memory_space<vmem>>
    %dma_wait3A_246 = arith.constant 0 : i32
    %dma_wait3A_247 = arith.constant 0 : i32
    %dma_wait3A_248 = tpu.memref_slice %arg4[%dma_wait3A_246, %dma_wait3A_247] : memref<1000000x32xf32, #tpu.memory_space<hbm>> -> memref<1000000x32xf32, #tpu.memory_space<hbm>>
    tpu.wait_indirect_dma semaphore(%arg12 : memref<!tpu.dma_semaphore, #tpu.memory_space<semaphore_mem>>) src(%dma_wait3A_248 : memref<1000000x32xf32, #tpu.memory_space<hbm>>) dst(%dma_wait3A_243 : memref<64x32xf32, #tpu.memory_space<vmem>>)
    %dma_wait3A_249 = arith.constant 448 : i32
    %dma_wait3A_250 = arith.constant 0 : i32
    %dma_wait3A_251 = tpu.memref_slice %arg10[%dma_wait3A_249, %dma_wait3A_250] : memref<512x32xf32, #tpu.memory_space<vmem>> -> memref<64x32xf32, #tpu.memory_space<vmem>>
    %dma_wait3A_252 = arith.constant 448 : i32
    %dma_wait3A_253 = tpu.memref_slice %arg8[%dma_wait3A_252] : memref<512xi32, #tpu.memory_space<vmem>> -> memref<64xi32, #tpu.memory_space<vmem>>
    %dma_wait3A_254 = arith.constant 0 : i32
    %dma_wait3A_255 = arith.constant 0 : i32
    %dma_wait3A_256 = tpu.memref_slice %arg5[%dma_wait3A_254, %dma_wait3A_255] : memref<1000000x32xf32, #tpu.memory_space<hbm>> -> memref<1000000x32xf32, #tpu.memory_space<hbm>>
    tpu.wait_indirect_dma semaphore(%arg13 : memref<!tpu.dma_semaphore, #tpu.memory_space<semaphore_mem>>) src(%dma_wait3A_256 : memref<1000000x32xf32, #tpu.memory_space<hbm>>) dst(%dma_wait3A_251 : memref<64x32xf32, #tpu.memory_space<vmem>>)
    %iota3A = tpu.iota {dimensions = array<i32: 0>} : vector<16xi32>
    %scan3A = arith.constant 0 : i32
    %scan3A_257 = arith.constant 0 : i32
    %scan3A_258 = arith.constant 32 : i32
    %scan3A_259 = arith.addi %scan3A_257, %scan3A_258 : i32
    %scan3A_260 = arith.constant 1 : i32
    scf.for %scan3A_262 = %scan3A_257 to %scan3A_259 step %scan3A_260  : i32 {
      %mul3A_263 = arith.constant 16 : i32
      %mul3A_264 = arith.muli %scan3A_262, %mul3A_263 : i32
      %broadcast_in_dim3A = arith.constant 0.000000e+00 : f32
      %broadcast_in_dim3A_265 = vector.broadcast %broadcast_in_dim3A : f32 to vector<16xf32>
      %add3A_266 = arith.constant 0 : i32
      %add3A_267 = arith.addi %mul3A_264, %add3A_266 : i32
      %get3A = arith.index_cast %add3A_267 : i32 to index
      %get3A_268 = arith.constant 0 : index
      %get3A_269 = tpu.vector_load %arg9[%get3A, %get3A_268] {strides = array<i32>} : memref<512x32xf32, #tpu.memory_space<vmem>>, vector<16xf32>,
      %get3A_270 = arith.index_cast %add3A_267 : i32 to index
      %get3A_271 = arith.constant 16 : index
      %get3A_272 = tpu.vector_load %arg9[%get3A_270, %get3A_271] {strides = array<i32>} : memref<512x32xf32, #tpu.memory_space<vmem>>, vector<16xf32>,
      %get3A_273 = arith.index_cast %add3A_267 : i32 to index
      %get3A_274 = arith.constant 0 : index
      %get3A_275 = tpu.vector_load %arg10[%get3A_273, %get3A_274] {strides = array<i32>} : memref<512x32xf32, #tpu.memory_space<vmem>>, vector<16xf32>,
      %get3A_276 = arith.index_cast %add3A_267 : i32 to index
      %get3A_277 = arith.constant 16 : index
      %get3A_278 = tpu.vector_load %arg10[%get3A_276, %get3A_277] {strides = array<i32>} : memref<512x32xf32, #tpu.memory_space<vmem>>, vector<16xf32>,
      %mul3A_279 = arith.mulf %get3A_269, %get3A_275 : vector<16xf32>
      %mul3A_280 = arith.mulf %get3A_272, %get3A_278 : vector<16xf32>
      %add3A_281 = arith.addf %mul3A_279, %mul3A_280 : vector<16xf32>
      %eq3A = arith.constant 0 : i32
      %eq3A_282 = vector.broadcast %eq3A : i32 to vector<16xi32>
      %eq3A_283 = arith.cmpi eq, %iota3A, %eq3A_282 : vector<16xi32>
      %reduce_sum3A = arith.constant true
      %reduce_sum3A_284 = vector.broadcast %reduce_sum3A : i1 to vector<16xi1>
      %reduce_sum3A_285 = tpu.scan <sum>, %add3A_281 masked %reduce_sum3A_284 : vector<16xf32>, vector<16xi1> -> vector<16xf32>
      %reduce_sum3A_286 = vector.extract %reduce_sum3A_285[15] : f32 from vector<16xf32>
      %broadcast_in_dim3A_287 = vector.broadcast %reduce_sum3A_286 : f32 to vector<16xf32>
      %select_n3A = arith.select %eq3A_283, %broadcast_in_dim3A_287, %broadcast_in_dim3A_265 : vector<16xi1>, vector<16xf32>
      %add3A_288 = arith.constant 1 : i32
      %add3A_289 = arith.addi %mul3A_264, %add3A_288 : i32
      %get3A_290 = arith.index_cast %add3A_289 : i32 to index
      %get3A_291 = arith.constant 0 : index
      %get3A_292 = tpu.vector_load %arg9[%get3A_290, %get3A_291] {strides = array<i32>} : memref<512x32xf32, #tpu.memory_space<vmem>>, vector<16xf32>,
      %get3A_293 = arith.index_cast %add3A_289 : i32 to index
      %get3A_294 = arith.constant 16 : index
      %get3A_295 = tpu.vector_load %arg9[%get3A_293, %get3A_294] {strides = array<i32>} : memref<512x32xf32, #tpu.memory_space<vmem>>, vector<16xf32>,
      %get3A_296 = arith.index_cast %add3A_289 : i32 to index
      %get3A_297 = arith.constant 0 : index
      %get3A_298 = tpu.vector_load %arg10[%get3A_296, %get3A_297] {strides = array<i32>} : memref<512x32xf32, #tpu.memory_space<vmem>>, vector<16xf32>,
      %get3A_299 = arith.index_cast %add3A_289 : i32 to index
      %get3A_300 = arith.constant 16 : index
      %get3A_301 = tpu.vector_load %arg10[%get3A_299, %get3A_300] {strides = array<i32>} : memref<512x32xf32, #tpu.memory_space<vmem>>, vector<16xf32>,
      %mul3A_302 = arith.mulf %get3A_292, %get3A_298 : vector<16xf32>
      %mul3A_303 = arith.mulf %get3A_295, %get3A_301 : vector<16xf32>
      %add3A_304 = arith.addf %mul3A_302, %mul3A_303 : vector<16xf32>
      %eq3A_305 = arith.constant 1 : i32
      %eq3A_306 = vector.broadcast %eq3A_305 : i32 to vector<16xi32>
      %eq3A_307 = arith.cmpi eq, %iota3A, %eq3A_306 : vector<16xi32>
      %reduce_sum3A_308 = arith.constant true
      %reduce_sum3A_309 = vector.broadcast %reduce_sum3A_308 : i1 to vector<16xi1>
      %reduce_sum3A_310 = tpu.scan <sum>, %add3A_304 masked %reduce_sum3A_309 : vector<16xf32>, vector<16xi1> -> vector<16xf32>
      %reduce_sum3A_311 = vector.extract %reduce_sum3A_310[15] : f32 from vector<16xf32>
      %broadcast_in_dim3A_312 = vector.broadcast %reduce_sum3A_311 : f32 to vector<16xf32>
      %select_n3A_313 = arith.select %eq3A_307, %broadcast_in_dim3A_312, %select_n3A : vector<16xi1>, vector<16xf32>
      %add3A_314 = arith.constant 2 : i32
      %add3A_315 = arith.addi %mul3A_264, %add3A_314 : i32
      %get3A_316 = arith.index_cast %add3A_315 : i32 to index
      %get3A_317 = arith.constant 0 : index
      %get3A_318 = tpu.vector_load %arg9[%get3A_316, %get3A_317] {strides = array<i32>} : memref<512x32xf32, #tpu.memory_space<vmem>>, vector<16xf32>,
      %get3A_319 = arith.index_cast %add3A_315 : i32 to index
      %get3A_320 = arith.constant 16 : index
      %get3A_321 = tpu.vector_load %arg9[%get3A_319, %get3A_320] {strides = array<i32>} : memref<512x32xf32, #tpu.memory_space<vmem>>, vector<16xf32>,
      %get3A_322 = arith.index_cast %add3A_315 : i32 to index
      %get3A_323 = arith.constant 0 : index
      %get3A_324 = tpu.vector_load %arg10[%get3A_322, %get3A_323] {strides = array<i32>} : memref<512x32xf32, #tpu.memory_space<vmem>>, vector<16xf32>,
      %get3A_325 = arith.index_cast %add3A_315 : i32 to index
      %get3A_326 = arith.constant 16 : index
      %get3A_327 = tpu.vector_load %arg10[%get3A_325, %get3A_326] {strides = array<i32>} : memref<512x32xf32, #tpu.memory_space<vmem>>, vector<16xf32>,
      %mul3A_328 = arith.mulf %get3A_318, %get3A_324 : vector<16xf32>
      %mul3A_329 = arith.mulf %get3A_321, %get3A_327 : vector<16xf32>
      %add3A_330 = arith.addf %mul3A_328, %mul3A_329 : vector<16xf32>
      %eq3A_331 = arith.constant 2 : i32
      %eq3A_332 = vector.broadcast %eq3A_331 : i32 to vector<16xi32>
      %eq3A_333 = arith.cmpi eq, %iota3A, %eq3A_332 : vector<16xi32>
      %reduce_sum3A_334 = arith.constant true
      %reduce_sum3A_335 = vector.broadcast %reduce_sum3A_334 : i1 to vector<16xi1>
      %reduce_sum3A_336 = tpu.scan <sum>, %add3A_330 masked %reduce_sum3A_335 : vector<16xf32>, vector<16xi1> -> vector<16xf32>
      %reduce_sum3A_337 = vector.extract %reduce_sum3A_336[15] : f32 from vector<16xf32>
      %broadcast_in_dim3A_338 = vector.broadcast %reduce_sum3A_337 : f32 to vector<16xf32>
      %select_n3A_339 = arith.select %eq3A_333, %broadcast_in_dim3A_338, %select_n3A_313 : vector<16xi1>, vector<16xf32>
      %add3A_340 = arith.constant 3 : i32
      %add3A_341 = arith.addi %mul3A_264, %add3A_340 : i32
      %get3A_342 = arith.index_cast %add3A_341 : i32 to index
      %get3A_343 = arith.constant 0 : index
      %get3A_344 = tpu.vector_load %arg9[%get3A_342, %get3A_343] {strides = array<i32>} : memref<512x32xf32, #tpu.memory_space<vmem>>, vector<16xf32>,
      %get3A_345 = arith.index_cast %add3A_341 : i32 to index
      %get3A_346 = arith.constant 16 : index
      %get3A_347 = tpu.vector_load %arg9[%get3A_345, %get3A_346] {strides = array<i32>} : memref<512x32xf32, #tpu.memory_space<vmem>>, vector<16xf32>,
      %get3A_348 = arith.index_cast %add3A_341 : i32 to index
      %get3A_349 = arith.constant 0 : index
      %get3A_350 = tpu.vector_load %arg10[%get3A_348, %get3A_349] {strides = array<i32>} : memref<512x32xf32, #tpu.memory_space<vmem>>, vector<16xf32>,
      %get3A_351 = arith.index_cast %add3A_341 : i32 to index
      %get3A_352 = arith.constant 16 : index
      %get3A_353 = tpu.vector_load %arg10[%get3A_351, %get3A_352] {strides = array<i32>} : memref<512x32xf32, #tpu.memory_space<vmem>>, vector<16xf32>,
      %mul3A_354 = arith.mulf %get3A_344, %get3A_350 : vector<16xf32>
      %mul3A_355 = arith.mulf %get3A_347, %get3A_353 : vector<16xf32>
      %add3A_356 = arith.addf %mul3A_354, %mul3A_355 : vector<16xf32>
      %eq3A_357 = arith.constant 3 : i32
      %eq3A_358 = vector.broadcast %eq3A_357 : i32 to vector<16xi32>
      %eq3A_359 = arith.cmpi eq, %iota3A, %eq3A_358 : vector<16xi32>
      %reduce_sum3A_360 = arith.constant true
      %reduce_sum3A_361 = vector.broadcast %reduce_sum3A_360 : i1 to vector<16xi1>
      %reduce_sum3A_362 = tpu.scan <sum>, %add3A_356 masked %reduce_sum3A_361 : vector<16xf32>, vector<16xi1> -> vector<16xf32>
      %reduce_sum3A_363 = vector.extract %reduce_sum3A_362[15] : f32 from vector<16xf32>
      %broadcast_in_dim3A_364 = vector.broadcast %reduce_sum3A_363 : f32 to vector<16xf32>
      %select_n3A_365 = arith.select %eq3A_359, %broadcast_in_dim3A_364, %select_n3A_339 : vector<16xi1>, vector<16xf32>
      %add3A_366 = arith.constant 4 : i32
      %add3A_367 = arith.addi %mul3A_264, %add3A_366 : i32
      %get3A_368 = arith.index_cast %add3A_367 : i32 to index
      %get3A_369 = arith.constant 0 : index
      %get3A_370 = tpu.vector_load %arg9[%get3A_368, %get3A_369] {strides = array<i32>} : memref<512x32xf32, #tpu.memory_space<vmem>>, vector<16xf32>,
      %get3A_371 = arith.index_cast %add3A_367 : i32 to index
      %get3A_372 = arith.constant 16 : index
      %get3A_373 = tpu.vector_load %arg9[%get3A_371, %get3A_372] {strides = array<i32>} : memref<512x32xf32, #tpu.memory_space<vmem>>, vector<16xf32>,
      %get3A_374 = arith.index_cast %add3A_367 : i32 to index
      %get3A_375 = arith.constant 0 : index
      %get3A_376 = tpu.vector_load %arg10[%get3A_374, %get3A_375] {strides = array<i32>} : memref<512x32xf32, #tpu.memory_space<vmem>>, vector<16xf32>,
      %get3A_377 = arith.index_cast %add3A_367 : i32 to index
      %get3A_378 = arith.constant 16 : index
      %get3A_379 = tpu.vector_load %arg10[%get3A_377, %get3A_378] {strides = array<i32>} : memref<512x32xf32, #tpu.memory_space<vmem>>, vector<16xf32>,
      %mul3A_380 = arith.mulf %get3A_370, %get3A_376 : vector<16xf32>
      %mul3A_381 = arith.mulf %get3A_373, %get3A_379 : vector<16xf32>
      %add3A_382 = arith.addf %mul3A_380, %mul3A_381 : vector<16xf32>
      %eq3A_383 = arith.constant 4 : i32
      %eq3A_384 = vector.broadcast %eq3A_383 : i32 to vector<16xi32>
      %eq3A_385 = arith.cmpi eq, %iota3A, %eq3A_384 : vector<16xi32>
      %reduce_sum3A_386 = arith.constant true
      %reduce_sum3A_387 = vector.broadcast %reduce_sum3A_386 : i1 to vector<16xi1>
      %reduce_sum3A_388 = tpu.scan <sum>, %add3A_382 masked %reduce_sum3A_387 : vector<16xf32>, vector<16xi1> -> vector<16xf32>
      %reduce_sum3A_389 = vector.extract %reduce_sum3A_388[15] : f32 from vector<16xf32>
      %broadcast_in_dim3A_390 = vector.broadcast %reduce_sum3A_389 : f32 to vector<16xf32>
      %select_n3A_391 = arith.select %eq3A_385, %broadcast_in_dim3A_390, %select_n3A_365 : vector<16xi1>, vector<16xf32>
      %add3A_392 = arith.constant 5 : i32
      %add3A_393 = arith.addi %mul3A_264, %add3A_392 : i32
      %get3A_394 = arith.index_cast %add3A_393 : i32 to index
      %get3A_395 = arith.constant 0 : index
      %get3A_396 = tpu.vector_load %arg9[%get3A_394, %get3A_395] {strides = array<i32>} : memref<512x32xf32, #tpu.memory_space<vmem>>, vector<16xf32>,
      %get3A_397 = arith.index_cast %add3A_393 : i32 to index
      %get3A_398 = arith.constant 16 : index
      %get3A_399 = tpu.vector_load %arg9[%get3A_397, %get3A_398] {strides = array<i32>} : memref<512x32xf32, #tpu.memory_space<vmem>>, vector<16xf32>,
      %get3A_400 = arith.index_cast %add3A_393 : i32 to index
      %get3A_401 = arith.constant 0 : index
      %get3A_402 = tpu.vector_load %arg10[%get3A_400, %get3A_401] {strides = array<i32>} : memref<512x32xf32, #tpu.memory_space<vmem>>, vector<16xf32>,
      %get3A_403 = arith.index_cast %add3A_393 : i32 to index
      %get3A_404 = arith.constant 16 : index
      %get3A_405 = tpu.vector_load %arg10[%get3A_403, %get3A_404] {strides = array<i32>} : memref<512x32xf32, #tpu.memory_space<vmem>>, vector<16xf32>,
      %mul3A_406 = arith.mulf %get3A_396, %get3A_402 : vector<16xf32>
      %mul3A_407 = arith.mulf %get3A_399, %get3A_405 : vector<16xf32>
      %add3A_408 = arith.addf %mul3A_406, %mul3A_407 : vector<16xf32>
      %eq3A_409 = arith.constant 5 : i32
      %eq3A_410 = vector.broadcast %eq3A_409 : i32 to vector<16xi32>
      %eq3A_411 = arith.cmpi eq, %iota3A, %eq3A_410 : vector<16xi32>
      %reduce_sum3A_412 = arith.constant true
      %reduce_sum3A_413 = vector.broadcast %reduce_sum3A_412 : i1 to vector<16xi1>
      %reduce_sum3A_414 = tpu.scan <sum>, %add3A_408 masked %reduce_sum3A_413 : vector<16xf32>, vector<16xi1> -> vector<16xf32>
      %reduce_sum3A_415 = vector.extract %reduce_sum3A_414[15] : f32 from vector<16xf32>
      %broadcast_in_dim3A_416 = vector.broadcast %reduce_sum3A_415 : f32 to vector<16xf32>
      %select_n3A_417 = arith.select %eq3A_411, %broadcast_in_dim3A_416, %select_n3A_391 : vector<16xi1>, vector<16xf32>
      %add3A_418 = arith.constant 6 : i32
      %add3A_419 = arith.addi %mul3A_264, %add3A_418 : i32
      %get3A_420 = arith.index_cast %add3A_419 : i32 to index
      %get3A_421 = arith.constant 0 : index
      %get3A_422 = tpu.vector_load %arg9[%get3A_420, %get3A_421] {strides = array<i32>} : memref<512x32xf32, #tpu.memory_space<vmem>>, vector<16xf32>,
      %get3A_423 = arith.index_cast %add3A_419 : i32 to index
      %get3A_424 = arith.constant 16 : index
      %get3A_425 = tpu.vector_load %arg9[%get3A_423, %get3A_424] {strides = array<i32>} : memref<512x32xf32, #tpu.memory_space<vmem>>, vector<16xf32>,
      %get3A_426 = arith.index_cast %add3A_419 : i32 to index
      %get3A_427 = arith.constant 0 : index
      %get3A_428 = tpu.vector_load %arg10[%get3A_426, %get3A_427] {strides = array<i32>} : memref<512x32xf32, #tpu.memory_space<vmem>>, vector<16xf32>,
      %get3A_429 = arith.index_cast %add3A_419 : i32 to index
      %get3A_430 = arith.constant 16 : index
      %get3A_431 = tpu.vector_load %arg10[%get3A_429, %get3A_430] {strides = array<i32>} : memref<512x32xf32, #tpu.memory_space<vmem>>, vector<16xf32>,
      %mul3A_432 = arith.mulf %get3A_422, %get3A_428 : vector<16xf32>
      %mul3A_433 = arith.mulf %get3A_425, %get3A_431 : vector<16xf32>
      %add3A_434 = arith.addf %mul3A_432, %mul3A_433 : vector<16xf32>
      %eq3A_435 = arith.constant 6 : i32
      %eq3A_436 = vector.broadcast %eq3A_435 : i32 to vector<16xi32>
      %eq3A_437 = arith.cmpi eq, %iota3A, %eq3A_436 : vector<16xi32>
      %reduce_sum3A_438 = arith.constant true
      %reduce_sum3A_439 = vector.broadcast %reduce_sum3A_438 : i1 to vector<16xi1>
      %reduce_sum3A_440 = tpu.scan <sum>, %add3A_434 masked %reduce_sum3A_439 : vector<16xf32>, vector<16xi1> -> vector<16xf32>
      %reduce_sum3A_441 = vector.extract %reduce_sum3A_440[15] : f32 from vector<16xf32>
      %broadcast_in_dim3A_442 = vector.broadcast %reduce_sum3A_441 : f32 to vector<16xf32>
      %select_n3A_443 = arith.select %eq3A_437, %broadcast_in_dim3A_442, %select_n3A_417 : vector<16xi1>, vector<16xf32>
      %add3A_444 = arith.constant 7 : i32
      %add3A_445 = arith.addi %mul3A_264, %add3A_444 : i32
      %get3A_446 = arith.index_cast %add3A_445 : i32 to index
      %get3A_447 = arith.constant 0 : index
      %get3A_448 = tpu.vector_load %arg9[%get3A_446, %get3A_447] {strides = array<i32>} : memref<512x32xf32, #tpu.memory_space<vmem>>, vector<16xf32>,
      %get3A_449 = arith.index_cast %add3A_445 : i32 to index
      %get3A_450 = arith.constant 16 : index
      %get3A_451 = tpu.vector_load %arg9[%get3A_449, %get3A_450] {strides = array<i32>} : memref<512x32xf32, #tpu.memory_space<vmem>>, vector<16xf32>,
      %get3A_452 = arith.index_cast %add3A_445 : i32 to index
      %get3A_453 = arith.constant 0 : index
      %get3A_454 = tpu.vector_load %arg10[%get3A_452, %get3A_453] {strides = array<i32>} : memref<512x32xf32, #tpu.memory_space<vmem>>, vector<16xf32>,
      %get3A_455 = arith.index_cast %add3A_445 : i32 to index
      %get3A_456 = arith.constant 16 : index
      %get3A_457 = tpu.vector_load %arg10[%get3A_455, %get3A_456] {strides = array<i32>} : memref<512x32xf32, #tpu.memory_space<vmem>>, vector<16xf32>,
      %mul3A_458 = arith.mulf %get3A_448, %get3A_454 : vector<16xf32>
      %mul3A_459 = arith.mulf %get3A_451, %get3A_457 : vector<16xf32>
      %add3A_460 = arith.addf %mul3A_458, %mul3A_459 : vector<16xf32>
      %eq3A_461 = arith.constant 7 : i32
      %eq3A_462 = vector.broadcast %eq3A_461 : i32 to vector<16xi32>
      %eq3A_463 = arith.cmpi eq, %iota3A, %eq3A_462 : vector<16xi32>
      %reduce_sum3A_464 = arith.constant true
      %reduce_sum3A_465 = vector.broadcast %reduce_sum3A_464 : i1 to vector<16xi1>
      %reduce_sum3A_466 = tpu.scan <sum>, %add3A_460 masked %reduce_sum3A_465 : vector<16xf32>, vector<16xi1> -> vector<16xf32>
      %reduce_sum3A_467 = vector.extract %reduce_sum3A_466[15] : f32 from vector<16xf32>
      %broadcast_in_dim3A_468 = vector.broadcast %reduce_sum3A_467 : f32 to vector<16xf32>
      %select_n3A_469 = arith.select %eq3A_463, %broadcast_in_dim3A_468, %select_n3A_443 : vector<16xi1>, vector<16xf32>
      %add3A_470 = arith.constant 8 : i32
      %add3A_471 = arith.addi %mul3A_264, %add3A_470 : i32
      %get3A_472 = arith.index_cast %add3A_471 : i32 to index
      %get3A_473 = arith.constant 0 : index
      %get3A_474 = tpu.vector_load %arg9[%get3A_472, %get3A_473] {strides = array<i32>} : memref<512x32xf32, #tpu.memory_space<vmem>>, vector<16xf32>,
      %get3A_475 = arith.index_cast %add3A_471 : i32 to index
      %get3A_476 = arith.constant 16 : index
      %get3A_477 = tpu.vector_load %arg9[%get3A_475, %get3A_476] {strides = array<i32>} : memref<512x32xf32, #tpu.memory_space<vmem>>, vector<16xf32>,
      %get3A_478 = arith.index_cast %add3A_471 : i32 to index
      %get3A_479 = arith.constant 0 : index
      %get3A_480 = tpu.vector_load %arg10[%get3A_478, %get3A_479] {strides = array<i32>} : memref<512x32xf32, #tpu.memory_space<vmem>>, vector<16xf32>,
      %get3A_481 = arith.index_cast %add3A_471 : i32 to index
      %get3A_482 = arith.constant 16 : index
      %get3A_483 = tpu.vector_load %arg10[%get3A_481, %get3A_482] {strides = array<i32>} : memref<512x32xf32, #tpu.memory_space<vmem>>, vector<16xf32>,
      %mul3A_484 = arith.mulf %get3A_474, %get3A_480 : vector<16xf32>
      %mul3A_485 = arith.mulf %get3A_477, %get3A_483 : vector<16xf32>
      %add3A_486 = arith.addf %mul3A_484, %mul3A_485 : vector<16xf32>
      %eq3A_487 = arith.constant 8 : i32
      %eq3A_488 = vector.broadcast %eq3A_487 : i32 to vector<16xi32>
      %eq3A_489 = arith.cmpi eq, %iota3A, %eq3A_488 : vector<16xi32>
      %reduce_sum3A_490 = arith.constant true
      %reduce_sum3A_491 = vector.broadcast %reduce_sum3A_490 : i1 to vector<16xi1>
      %reduce_sum3A_492 = tpu.scan <sum>, %add3A_486 masked %reduce_sum3A_491 : vector<16xf32>, vector<16xi1> -> vector<16xf32>
      %reduce_sum3A_493 = vector.extract %reduce_sum3A_492[15] : f32 from vector<16xf32>
      %broadcast_in_dim3A_494 = vector.broadcast %reduce_sum3A_493 : f32 to vector<16xf32>
      %select_n3A_495 = arith.select %eq3A_489, %broadcast_in_dim3A_494, %select_n3A_469 : vector<16xi1>, vector<16xf32>
      %add3A_496 = arith.constant 9 : i32
      %add3A_497 = arith.addi %mul3A_264, %add3A_496 : i32
      %get3A_498 = arith.index_cast %add3A_497 : i32 to index
      %get3A_499 = arith.constant 0 : index
      %get3A_500 = tpu.vector_load %arg9[%get3A_498, %get3A_499] {strides = array<i32>} : memref<512x32xf32, #tpu.memory_space<vmem>>, vector<16xf32>,
      %get3A_501 = arith.index_cast %add3A_497 : i32 to index
      %get3A_502 = arith.constant 16 : index
      %get3A_503 = tpu.vector_load %arg9[%get3A_501, %get3A_502] {strides = array<i32>} : memref<512x32xf32, #tpu.memory_space<vmem>>, vector<16xf32>,
      %get3A_504 = arith.index_cast %add3A_497 : i32 to index
      %get3A_505 = arith.constant 0 : index
      %get3A_506 = tpu.vector_load %arg10[%get3A_504, %get3A_505] {strides = array<i32>} : memref<512x32xf32, #tpu.memory_space<vmem>>, vector<16xf32>,
      %get3A_507 = arith.index_cast %add3A_497 : i32 to index
      %get3A_508 = arith.constant 16 : index
      %get3A_509 = tpu.vector_load %arg10[%get3A_507, %get3A_508] {strides = array<i32>} : memref<512x32xf32, #tpu.memory_space<vmem>>, vector<16xf32>,
      %mul3A_510 = arith.mulf %get3A_500, %get3A_506 : vector<16xf32>
      %mul3A_511 = arith.mulf %get3A_503, %get3A_509 : vector<16xf32>
      %add3A_512 = arith.addf %mul3A_510, %mul3A_511 : vector<16xf32>
      %eq3A_513 = arith.constant 9 : i32
      %eq3A_514 = vector.broadcast %eq3A_513 : i32 to vector<16xi32>
      %eq3A_515 = arith.cmpi eq, %iota3A, %eq3A_514 : vector<16xi32>
      %reduce_sum3A_516 = arith.constant true
      %reduce_sum3A_517 = vector.broadcast %reduce_sum3A_516 : i1 to vector<16xi1>
      %reduce_sum3A_518 = tpu.scan <sum>, %add3A_512 masked %reduce_sum3A_517 : vector<16xf32>, vector<16xi1> -> vector<16xf32>
      %reduce_sum3A_519 = vector.extract %reduce_sum3A_518[15] : f32 from vector<16xf32>
      %broadcast_in_dim3A_520 = vector.broadcast %reduce_sum3A_519 : f32 to vector<16xf32>
      %select_n3A_521 = arith.select %eq3A_515, %broadcast_in_dim3A_520, %select_n3A_495 : vector<16xi1>, vector<16xf32>
      %add3A_522 = arith.constant 10 : i32
      %add3A_523 = arith.addi %mul3A_264, %add3A_522 : i32
      %get3A_524 = arith.index_cast %add3A_523 : i32 to index
      %get3A_525 = arith.constant 0 : index
      %get3A_526 = tpu.vector_load %arg9[%get3A_524, %get3A_525] {strides = array<i32>} : memref<512x32xf32, #tpu.memory_space<vmem>>, vector<16xf32>,
      %get3A_527 = arith.index_cast %add3A_523 : i32 to index
      %get3A_528 = arith.constant 16 : index
      %get3A_529 = tpu.vector_load %arg9[%get3A_527, %get3A_528] {strides = array<i32>} : memref<512x32xf32, #tpu.memory_space<vmem>>, vector<16xf32>,
      %get3A_530 = arith.index_cast %add3A_523 : i32 to index
      %get3A_531 = arith.constant 0 : index
      %get3A_532 = tpu.vector_load %arg10[%get3A_530, %get3A_531] {strides = array<i32>} : memref<512x32xf32, #tpu.memory_space<vmem>>, vector<16xf32>,
      %get3A_533 = arith.index_cast %add3A_523 : i32 to index
      %get3A_534 = arith.constant 16 : index
      %get3A_535 = tpu.vector_load %arg10[%get3A_533, %get3A_534] {strides = array<i32>} : memref<512x32xf32, #tpu.memory_space<vmem>>, vector<16xf32>,
      %mul3A_536 = arith.mulf %get3A_526, %get3A_532 : vector<16xf32>
      %mul3A_537 = arith.mulf %get3A_529, %get3A_535 : vector<16xf32>
      %add3A_538 = arith.addf %mul3A_536, %mul3A_537 : vector<16xf32>
      %eq3A_539 = arith.constant 10 : i32
      %eq3A_540 = vector.broadcast %eq3A_539 : i32 to vector<16xi32>
      %eq3A_541 = arith.cmpi eq, %iota3A, %eq3A_540 : vector<16xi32>
      %reduce_sum3A_542 = arith.constant true
      %reduce_sum3A_543 = vector.broadcast %reduce_sum3A_542 : i1 to vector<16xi1>
      %reduce_sum3A_544 = tpu.scan <sum>, %add3A_538 masked %reduce_sum3A_543 : vector<16xf32>, vector<16xi1> -> vector<16xf32>
      %reduce_sum3A_545 = vector.extract %reduce_sum3A_544[15] : f32 from vector<16xf32>
      %broadcast_in_dim3A_546 = vector.broadcast %reduce_sum3A_545 : f32 to vector<16xf32>
      %select_n3A_547 = arith.select %eq3A_541, %broadcast_in_dim3A_546, %select_n3A_521 : vector<16xi1>, vector<16xf32>
      %add3A_548 = arith.constant 11 : i32
      %add3A_549 = arith.addi %mul3A_264, %add3A_548 : i32
      %get3A_550 = arith.index_cast %add3A_549 : i32 to index
      %get3A_551 = arith.constant 0 : index
      %get3A_552 = tpu.vector_load %arg9[%get3A_550, %get3A_551] {strides = array<i32>} : memref<512x32xf32, #tpu.memory_space<vmem>>, vector<16xf32>,
      %get3A_553 = arith.index_cast %add3A_549 : i32 to index
      %get3A_554 = arith.constant 16 : index
      %get3A_555 = tpu.vector_load %arg9[%get3A_553, %get3A_554] {strides = array<i32>} : memref<512x32xf32, #tpu.memory_space<vmem>>, vector<16xf32>,
      %get3A_556 = arith.index_cast %add3A_549 : i32 to index
      %get3A_557 = arith.constant 0 : index
      %get3A_558 = tpu.vector_load %arg10[%get3A_556, %get3A_557] {strides = array<i32>} : memref<512x32xf32, #tpu.memory_space<vmem>>, vector<16xf32>,
      %get3A_559 = arith.index_cast %add3A_549 : i32 to index
      %get3A_560 = arith.constant 16 : index
      %get3A_561 = tpu.vector_load %arg10[%get3A_559, %get3A_560] {strides = array<i32>} : memref<512x32xf32, #tpu.memory_space<vmem>>, vector<16xf32>,
      %mul3A_562 = arith.mulf %get3A_552, %get3A_558 : vector<16xf32>
      %mul3A_563 = arith.mulf %get3A_555, %get3A_561 : vector<16xf32>
      %add3A_564 = arith.addf %mul3A_562, %mul3A_563 : vector<16xf32>
      %eq3A_565 = arith.constant 11 : i32
      %eq3A_566 = vector.broadcast %eq3A_565 : i32 to vector<16xi32>
      %eq3A_567 = arith.cmpi eq, %iota3A, %eq3A_566 : vector<16xi32>
      %reduce_sum3A_568 = arith.constant true
      %reduce_sum3A_569 = vector.broadcast %reduce_sum3A_568 : i1 to vector<16xi1>
      %reduce_sum3A_570 = tpu.scan <sum>, %add3A_564 masked %reduce_sum3A_569 : vector<16xf32>, vector<16xi1> -> vector<16xf32>
      %reduce_sum3A_571 = vector.extract %reduce_sum3A_570[15] : f32 from vector<16xf32>
      %broadcast_in_dim3A_572 = vector.broadcast %reduce_sum3A_571 : f32 to vector<16xf32>
      %select_n3A_573 = arith.select %eq3A_567, %broadcast_in_dim3A_572, %select_n3A_547 : vector<16xi1>, vector<16xf32>
      %add3A_574 = arith.constant 12 : i32
      %add3A_575 = arith.addi %mul3A_264, %add3A_574 : i32
      %get3A_576 = arith.index_cast %add3A_575 : i32 to index
      %get3A_577 = arith.constant 0 : index
      %get3A_578 = tpu.vector_load %arg9[%get3A_576, %get3A_577] {strides = array<i32>} : memref<512x32xf32, #tpu.memory_space<vmem>>, vector<16xf32>,
      %get3A_579 = arith.index_cast %add3A_575 : i32 to index
      %get3A_580 = arith.constant 16 : index
      %get3A_581 = tpu.vector_load %arg9[%get3A_579, %get3A_580] {strides = array<i32>} : memref<512x32xf32, #tpu.memory_space<vmem>>, vector<16xf32>,
      %get3A_582 = arith.index_cast %add3A_575 : i32 to index
      %get3A_583 = arith.constant 0 : index
      %get3A_584 = tpu.vector_load %arg10[%get3A_582, %get3A_583] {strides = array<i32>} : memref<512x32xf32, #tpu.memory_space<vmem>>, vector<16xf32>,
      %get3A_585 = arith.index_cast %add3A_575 : i32 to index
      %get3A_586 = arith.constant 16 : index
      %get3A_587 = tpu.vector_load %arg10[%get3A_585, %get3A_586] {strides = array<i32>} : memref<512x32xf32, #tpu.memory_space<vmem>>, vector<16xf32>,
      %mul3A_588 = arith.mulf %get3A_578, %get3A_584 : vector<16xf32>
      %mul3A_589 = arith.mulf %get3A_581, %get3A_587 : vector<16xf32>
      %add3A_590 = arith.addf %mul3A_588, %mul3A_589 : vector<16xf32>
      %eq3A_591 = arith.constant 12 : i32
      %eq3A_592 = vector.broadcast %eq3A_591 : i32 to vector<16xi32>
      %eq3A_593 = arith.cmpi eq, %iota3A, %eq3A_592 : vector<16xi32>
      %reduce_sum3A_594 = arith.constant true
      %reduce_sum3A_595 = vector.broadcast %reduce_sum3A_594 : i1 to vector<16xi1>
      %reduce_sum3A_596 = tpu.scan <sum>, %add3A_590 masked %reduce_sum3A_595 : vector<16xf32>, vector<16xi1> -> vector<16xf32>
      %reduce_sum3A_597 = vector.extract %reduce_sum3A_596[15] : f32 from vector<16xf32>
      %broadcast_in_dim3A_598 = vector.broadcast %reduce_sum3A_597 : f32 to vector<16xf32>
      %select_n3A_599 = arith.select %eq3A_593, %broadcast_in_dim3A_598, %select_n3A_573 : vector<16xi1>, vector<16xf32>
      %add3A_600 = arith.constant 13 : i32
      %add3A_601 = arith.addi %mul3A_264, %add3A_600 : i32
      %get3A_602 = arith.index_cast %add3A_601 : i32 to index
      %get3A_603 = arith.constant 0 : index
      %get3A_604 = tpu.vector_load %arg9[%get3A_602, %get3A_603] {strides = array<i32>} : memref<512x32xf32, #tpu.memory_space<vmem>>, vector<16xf32>,
      %get3A_605 = arith.index_cast %add3A_601 : i32 to index
      %get3A_606 = arith.constant 16 : index
      %get3A_607 = tpu.vector_load %arg9[%get3A_605, %get3A_606] {strides = array<i32>} : memref<512x32xf32, #tpu.memory_space<vmem>>, vector<16xf32>,
      %get3A_608 = arith.index_cast %add3A_601 : i32 to index
      %get3A_609 = arith.constant 0 : index
      %get3A_610 = tpu.vector_load %arg10[%get3A_608, %get3A_609] {strides = array<i32>} : memref<512x32xf32, #tpu.memory_space<vmem>>, vector<16xf32>,
      %get3A_611 = arith.index_cast %add3A_601 : i32 to index
      %get3A_612 = arith.constant 16 : index
      %get3A_613 = tpu.vector_load %arg10[%get3A_611, %get3A_612] {strides = array<i32>} : memref<512x32xf32, #tpu.memory_space<vmem>>, vector<16xf32>,
      %mul3A_614 = arith.mulf %get3A_604, %get3A_610 : vector<16xf32>
      %mul3A_615 = arith.mulf %get3A_607, %get3A_613 : vector<16xf32>
      %add3A_616 = arith.addf %mul3A_614, %mul3A_615 : vector<16xf32>
      %eq3A_617 = arith.constant 13 : i32
      %eq3A_618 = vector.broadcast %eq3A_617 : i32 to vector<16xi32>
      %eq3A_619 = arith.cmpi eq, %iota3A, %eq3A_618 : vector<16xi32>
      %reduce_sum3A_620 = arith.constant true
      %reduce_sum3A_621 = vector.broadcast %reduce_sum3A_620 : i1 to vector<16xi1>
      %reduce_sum3A_622 = tpu.scan <sum>, %add3A_616 masked %reduce_sum3A_621 : vector<16xf32>, vector<16xi1> -> vector<16xf32>
      %reduce_sum3A_623 = vector.extract %reduce_sum3A_622[15] : f32 from vector<16xf32>
      %broadcast_in_dim3A_624 = vector.broadcast %reduce_sum3A_623 : f32 to vector<16xf32>
      %select_n3A_625 = arith.select %eq3A_619, %broadcast_in_dim3A_624, %select_n3A_599 : vector<16xi1>, vector<16xf32>
      %add3A_626 = arith.constant 14 : i32
      %add3A_627 = arith.addi %mul3A_264, %add3A_626 : i32
      %get3A_628 = arith.index_cast %add3A_627 : i32 to index
      %get3A_629 = arith.constant 0 : index
      %get3A_630 = tpu.vector_load %arg9[%get3A_628, %get3A_629] {strides = array<i32>} : memref<512x32xf32, #tpu.memory_space<vmem>>, vector<16xf32>,
      %get3A_631 = arith.index_cast %add3A_627 : i32 to index
      %get3A_632 = arith.constant 16 : index
      %get3A_633 = tpu.vector_load %arg9[%get3A_631, %get3A_632] {strides = array<i32>} : memref<512x32xf32, #tpu.memory_space<vmem>>, vector<16xf32>,
      %get3A_634 = arith.index_cast %add3A_627 : i32 to index
      %get3A_635 = arith.constant 0 : index
      %get3A_636 = tpu.vector_load %arg10[%get3A_634, %get3A_635] {strides = array<i32>} : memref<512x32xf32, #tpu.memory_space<vmem>>, vector<16xf32>,
      %get3A_637 = arith.index_cast %add3A_627 : i32 to index
      %get3A_638 = arith.constant 16 : index
      %get3A_639 = tpu.vector_load %arg10[%get3A_637, %get3A_638] {strides = array<i32>} : memref<512x32xf32, #tpu.memory_space<vmem>>, vector<16xf32>,
      %mul3A_640 = arith.mulf %get3A_630, %get3A_636 : vector<16xf32>
      %mul3A_641 = arith.mulf %get3A_633, %get3A_639 : vector<16xf32>
      %add3A_642 = arith.addf %mul3A_640, %mul3A_641 : vector<16xf32>
      %eq3A_643 = arith.constant 14 : i32
      %eq3A_644 = vector.broadcast %eq3A_643 : i32 to vector<16xi32>
      %eq3A_645 = arith.cmpi eq, %iota3A, %eq3A_644 : vector<16xi32>
      %reduce_sum3A_646 = arith.constant true
      %reduce_sum3A_647 = vector.broadcast %reduce_sum3A_646 : i1 to vector<16xi1>
      %reduce_sum3A_648 = tpu.scan <sum>, %add3A_642 masked %reduce_sum3A_647 : vector<16xf32>, vector<16xi1> -> vector<16xf32>
      %reduce_sum3A_649 = vector.extract %reduce_sum3A_648[15] : f32 from vector<16xf32>
      %broadcast_in_dim3A_650 = vector.broadcast %reduce_sum3A_649 : f32 to vector<16xf32>
      %select_n3A_651 = arith.select %eq3A_645, %broadcast_in_dim3A_650, %select_n3A_625 : vector<16xi1>, vector<16xf32>
      %add3A_652 = arith.constant 15 : i32
      %add3A_653 = arith.addi %mul3A_264, %add3A_652 : i32
      %get3A_654 = arith.index_cast %add3A_653 : i32 to index
      %get3A_655 = arith.constant 0 : index
      %get3A_656 = tpu.vector_load %arg9[%get3A_654, %get3A_655] {strides = array<i32>} : memref<512x32xf32, #tpu.memory_space<vmem>>, vector<16xf32>,
      %get3A_657 = arith.index_cast %add3A_653 : i32 to index
      %get3A_658 = arith.constant 16 : index
      %get3A_659 = tpu.vector_load %arg9[%get3A_657, %get3A_658] {strides = array<i32>} : memref<512x32xf32, #tpu.memory_space<vmem>>, vector<16xf32>,
      %get3A_660 = arith.index_cast %add3A_653 : i32 to index
      %get3A_661 = arith.constant 0 : index
      %get3A_662 = tpu.vector_load %arg10[%get3A_660, %get3A_661] {strides = array<i32>} : memref<512x32xf32, #tpu.memory_space<vmem>>, vector<16xf32>,
      %get3A_663 = arith.index_cast %add3A_653 : i32 to index
      %get3A_664 = arith.constant 16 : index
      %get3A_665 = tpu.vector_load %arg10[%get3A_663, %get3A_664] {strides = array<i32>} : memref<512x32xf32, #tpu.memory_space<vmem>>, vector<16xf32>,
      %mul3A_666 = arith.mulf %get3A_656, %get3A_662 : vector<16xf32>
      %mul3A_667 = arith.mulf %get3A_659, %get3A_665 : vector<16xf32>
      %add3A_668 = arith.addf %mul3A_666, %mul3A_667 : vector<16xf32>
      %eq3A_669 = arith.constant 15 : i32
      %eq3A_670 = vector.broadcast %eq3A_669 : i32 to vector<16xi32>
      %eq3A_671 = arith.cmpi eq, %iota3A, %eq3A_670 : vector<16xi32>
      %reduce_sum3A_672 = arith.constant true
      %reduce_sum3A_673 = vector.broadcast %reduce_sum3A_672 : i1 to vector<16xi1>
      %reduce_sum3A_674 = tpu.scan <sum>, %add3A_668 masked %reduce_sum3A_673 : vector<16xf32>, vector<16xi1> -> vector<16xf32>
      %reduce_sum3A_675 = vector.extract %reduce_sum3A_674[15] : f32 from vector<16xf32>
      %broadcast_in_dim3A_676 = vector.broadcast %reduce_sum3A_675 : f32 to vector<16xf32>
      %select_n3A_677 = arith.select %eq3A_671, %broadcast_in_dim3A_676, %select_n3A_651 : vector<16xi1>, vector<16xf32>
      %swap3A = arith.index_cast %mul3A_264 : i32 to index
      %swap3A_678 = tpu.vector_load %arg11[%swap3A] {strides = array<i32>} : memref<512xf32, #tpu.memory_space<vmem>>, vector<16xf32>,
      tpu.vector_store %arg11[%swap3A], %select_n3A_677 {strides = array<i32>} : memref<512xf32, #tpu.memory_space<vmem>>, vector<16xf32>,
    }
    %scan3A_261 = arith.constant 32 : i32
    "tpu.region"() ({
      %run_scoped3A = tpu.sem_alloc : memref<!tpu.dma_semaphore, #tpu.memory_space<semaphore_mem>>
      %dma_start3A_262 = tpu.memref_slice %arg6[%mul3A_2] : memref<16384xf32, #tpu.memory_space<hbm>> -> memref<512xf32, #tpu.memory_space<hbm>>
      %dma_start3A_263 = tpu.memref_slice %arg6[%mul3A_2] : memref<16384xf32, #tpu.memory_space<hbm>> -> memref<512xf32, #tpu.memory_space<hbm>>
      tpu.enqueue_dma source(%arg11 : memref<512xf32, #tpu.memory_space<vmem>>) target(%dma_start3A_263 : memref<512xf32, #tpu.memory_space<hbm>>) target_semaphore(%run_scoped3A : memref<!tpu.dma_semaphore, #tpu.memory_space<semaphore_mem>>)
      %dma_wait3A_264 = tpu.memref_slice %arg6[%mul3A_2] : memref<16384xf32, #tpu.memory_space<hbm>> -> memref<512xf32, #tpu.memory_space<hbm>>
      %dma_wait3A_265 = tpu.memref_slice %arg6[%mul3A_2] : memref<16384xf32, #tpu.memory_space<hbm>> -> memref<512xf32, #tpu.memory_space<hbm>>
      tpu.wait_dma2 semaphore(%run_scoped3A : memref<!tpu.dma_semaphore, #tpu.memory_space<semaphore_mem>>) src(%arg11 : memref<512xf32, #tpu.memory_space<vmem>>) dst(%dma_wait3A_265 : memref<512xf32, #tpu.memory_space<hbm>>)
      tpu.yield
    }) : () -> ()
    return
  }
}

</mosaic_0001>

<sc_bundles>
// kernel: kernel.3.cloned.1.call-start
scs
__scs_entry_jumppad:
0x0: {  	(pc) =	sbr.rel $0x88, $3  }
0x1: {  	(tag) =	ssettag $0x0;
	lr =	simm.s32 $0x1  }
0x2: {  	[smem:$0x3F9D] =	sst lr;
	_ =	strace $0xD0000000  }
0x3: {  	_ = 	snop  }
0x4: {  	_ = 	snop  }
0x5: {  	_ = 	snop  }
0x6: {  	_ = 	snop  }
0x7: {  	_ = 	snop  }
__scs_overlays_trampoline_lowered:
0x8: {  	[smem:$0x3FAC] =	sst s0  }
0x9: {  	[smem:$0x3FAD] =	sst s1  }
0xa: {  	[smem:$0x3FAE] =	sst s2  }
0xb: {  	[smem:$0x3FAF] =	sst s3  }
0xc: {  	[smem:$0x3FB0] =	sst s4  }
0xd: {  	[smem:$0x3FB1] =	sst s5  }
0xe: {  	[smem:$0x3FB2] =	sst s6  }
0xf: {  	[smem:$0x3FB3] =	sst s7  }
0x10: {  	[smem:$0x3FB4] =	sst s8  }
0x11: {  	[smem:$0x3FB5] =	sst s9;
	s0 =	simm.s32 @!p0 $0x0  }
0x12: {  	s1 =	sld [smem:$0x3F9B];
	s0 =	simm.s32 @p0 $0x1  }
0x13: {  	[smem:$0x3FB6] =	sst s0;
	s0 =	simm.s32 @!p1 $0x0  }
0x14: {  	s2 =	sld [smem:$0x3F9A];
	s0 =	simm.s32 @p1 $0x1  }
0x15: {  	[smem:$0x3FB7] =	sst s0;
	s0 =	simm.s32 @!p2 $0x0  }
0x16: {  	s3 =	sld [smem:$0x3FDB];
	s0 =	simm.s32 @p2 $0x1  }
0x17: {  	s4 =	simm.s32 $0x1BF5;
	[smem:$0x3FB9] =	sst s0  }
0x18: {  	s0 =	sld [smem:$0x3F9C];
	_ =	swait.ge [sflag:s4], $0x0  }
0x19: {  	s7 =	sld [smem:$0x3F9D]  }
0x1a: {  	s8 =	sadd.s32 $0xFFFFE003, lr  }
0x1b: {  	s9 =	sadd.s32 $0xFFFFFEF7, lr;
	s5 =	simm.s32 $0xFFFFFFFF;
	p2 =	slt.u32 s8, $0xFFFFF086  }
0x1c: {  	p1 =	slt.u32 s9, $0xF7A;
	s5 =	simm.s32 @!p2 $0x0  }
0x1d: {  	s5 =	simm.s32 @p1 $0x1;
	p0 =	seq.s32 s7, s2  }
0x1e: {  	s7 =	smul.u32 @!p0 $0xF7A, s2;
	p2 =	seq.s32 @!p0 s5, $0x0  }
0x1f: {  	s9 =	smul.u32 $0xF7A, s1;
	s8 =	simm.s32 @!p0 $0x1BF5;
	p2 =	por !p2, p0  }
0x20: {  	[sflag:s8] =	ssyncset.s32 @!p0 $0xFFFFF086;
	s6 =	sadd.s32 @!p0 s3, s7;
	s7 =	simm.s32 @!p0 $0x108  }
0x21: {  	s3 =	sadd.s32 s3, s9;
	s6 =	sadd.s32 @!p0 $0x88, s6;
	s7 =	simm.s32 @p2 $0x1082  }
0x22: {  	[simem:s7], [sflag:s8] =	dma.local @!p0 [hbm:s6], $0xF7A  }
0x23: {  	s9 =	sor.u32 $0xD0000000, s2;
	s6 =	simm.s32 $0x108;
	_ =	swait.ge @!p0 [sflag:s8], $0x0  }
0x24: {  	s3 =	sadd.s32 $0x88, s3;
	s6 =	simm.s32 @!p1 $0x1082;
	[sflag:s4] =	ssyncset.s32 $0xFFFFF086  }
0x25: {  	[simem:s6], [sflag:s4] =	dma.local [hbm:s3], $0xF7A  }
0x26: {  	[smem:$0x3F9D] =	sst s1;
	(tag) =	ssettag s2;
	_ =	strace s9  }
0x27: {  	s1 =	sld [smem:$0x3FAD]  }
0x28: {  	s2 =	sld [smem:$0x3FAE]  }
0x29: {  	s4 =	sld [smem:$0x3FB0]  }
0x2a: {  	p0 =	seq.s32 s5, $0x0;
	s5 =	sld [smem:$0x3FB1]  }
0x2b: {  	s6 =	sld [smem:$0x3FB2]  }
0x2c: {  	s7 =	sld [smem:$0x3FB3]  }
0x2d: {  	s3 =	simm.s32 $0x108;
	s8 =	sld [smem:$0x3FB4]  }
0x2e: {  	s3 =	simm.s32 @!p0 $0x1082;
	s9 =	sld [smem:$0x3FB5]  }
0x2f: {  	lr =	sadd.s32 s0, s3;
	s0 =	sld [smem:$0x3FAC]  }
0x30: {  	s3 =	sld [smem:$0x3FAF]  }
0x31: {  	[smem:$0x3FB8] =	sst s10  }
0x32: {  	s10 =	sld [smem:$0x3FB6];
	_ =	sdelay $0x3  }
0x33: {  	p0 =	seq.s32 s10, $0x1;
	s10 =	sld [smem:$0x3FB8];
	_ =	sdelay $0x3  }
0x34: {  	[smem:$0x3FB8] =	sst s10  }
0x35: {  	s10 =	sld [smem:$0x3FB7];
	_ =	sdelay $0x3  }
0x36: {  	p1 =	seq.s32 s10, $0x1;
	s10 =	sld [smem:$0x3FB8];
	_ =	sdelay $0x3  }
0x37: {  	[smem:$0x3FB8] =	sst s10  }
0x38: {  	s10 =	sld [smem:$0x3FB9]  }
0x39: {  	_ = 	snop;
	(pc) =	sbr.ind lr, $3  }
0x3a: {  	_ = 	snop  }
0x3b: {  	_ = 	snop  }
0x3c: {  	p2 =	seq.s32 s10, $0x1;
	s10 =	sld [smem:$0x3FB8]  }
0x3d: {  	_ =	shalt  }
0x3e: {  	_ =	shalt  }
0x3f: {  	_ =	shalt  }
0x40: {  	_ =	shalt  }
0x41: {  	_ =	shalt  }
0x42: {  	_ =	shalt  }
0x43: {  	_ =	shalt  }
0x44: {  	_ =	shalt  }
0x45: {  	_ =	shalt  }
0x46: {  	_ =	shalt  }
0x47: {  	_ =	shalt  }
0x48: {  	_ =	shalt  }
0x49: {  	_ =	shalt  }
0x4a: {  	_ =	shalt  }
0x4b: {  	_ =	shalt  }
0x4c: {  	_ =	shalt  }
0x4d: {  	_ =	shalt  }
0x4e: {  	_ =	shalt  }
0x4f: {  	_ =	shalt  }
0x50: {  	_ =	shalt  }
0x51: {  	_ =	shalt  }
0x52: {  	_ =	shalt  }
0x53: {  	_ =	shalt  }
0x54: {  	_ =	shalt  }
0x55: {  	_ =	shalt  }
0x56: {  	_ =	shalt  }
0x57: {  	_ =	shalt  }
0x58: {  	_ =	shalt  }
0x59: {  	_ =	shalt  }
0x5a: {  	_ =	shalt  }
0x5b: {  	_ =	shalt  }
0x5c: {  	_ =	shalt  }
0x5d: {  	_ =	shalt  }
0x5e: {  	_ =	shalt  }
0x5f: {  	_ =	shalt  }
0x60: {  	_ =	shalt  }
0x61: {  	_ =	shalt  }
0x62: {  	_ =	shalt  }
0x63: {  	_ =	shalt  }
0x64: {  	_ =	shalt  }
0x65: {  	_ =	shalt  }
0x66: {  	_ =	shalt  }
0x67: {  	_ =	shalt  }
0x68: {  	_ =	shalt  }
0x69: {  	_ =	shalt  }
0x6a: {  	_ =	shalt  }
0x6b: {  	_ =	shalt  }
0x6c: {  	_ =	shalt  }
0x6d: {  	_ =	shalt  }
0x6e: {  	_ =	shalt  }
0x6f: {  	_ =	shalt  }
0x70: {  	_ =	shalt  }
0x71: {  	_ =	shalt  }
0x72: {  	_ =	shalt  }
0x73: {  	_ =	shalt  }
0x74: {  	_ =	shalt  }
0x75: {  	_ =	shalt  }
0x76: {  	_ =	shalt  }
0x77: {  	_ =	shalt  }
0x78: {  	_ =	shalt  }
0x79: {  	_ =	shalt  }
0x7a: {  	_ =	shalt  }
0x7b: {  	_ =	shalt  }
0x7c: {  	_ =	shalt  }
0x7d: {  	_ =	shalt  }
0x7e: {  	_ =	shalt  }
0x7f: {  	_ =	shalt  }
0x80: {  	_ =	shalt  }
0x81: {  	_ =	shalt  }
0x82: {  	_ =	shalt  }
0x83: {  	_ =	shalt  }
0x84: {  	_ =	shalt  }
0x85: {  	_ =	shalt  }
0x86: {  	_ =	shalt  }
0x87: {  	_ =	shalt  }
.Lfunc_end0:
.L_simem_size_0:
called_computation_lowered:
.L_overlay_start_0:
0x88: {  	s2 =	sld [smem:$0x3FD9]  }
0x89: {  	s3 =	sld [smem:$0x3FFE];
	_ =	sdelay $0x1  }
0x8a: {  	s1 =	srdreg.scid  }
0x8b: {  	s0 =	sand.u32 $0x1, s1  }
0x8c: {  	s17 =	sshll.u32 s0, $0xA;
	s2 =	sadd.s32 s3, s2  }
0x8d: {  	s2 =	sadd.s32 s2, s17  }
0x8e: {  	[smem:$0x3FC4] =	sst s2  }
0x8f: {  	_ = 	snop  }
0x90: {  	s2 =	sld [smem:$0x3FC9]  }
0x91: {  	s18 =	sld [smem:$0x3FC8]  }
0x92: {  	s4 =	sld [smem:$0x3FD0];
	(tm) =	ssettm $0x1  }
0x93: {  	s5 =	sld [smem:$0x3FFB];
	_ =	sdelay $0x3  }
0x94: {  	_ =	strace s5  }
0x95: {  	s5 =	sld [smem:$0x3FFC];
	_ =	sdelay $0x3  }
0x96: {  	_ =	strace s5  }
0x97: {  	s5 =	sld [smem:$0x3FFD];
	_ =	sdelay $0x3  }
0x98: {  	_ =	strace s5  }
0x99: {  	_ =	strace $0x8FFFFFFF  }
0x9a: {  	s19 =	sld [smem:$0x3FDB];
	_ =	sdelay $0x1  }
0x9b: {  	s6 =	simm.s32 $_scs_section_size  }
0x9c: {  	s7 =	simm.s32 $_size__tile_overlayer_lowered;
	s8 =	simm.s32 $_tile_overlayer_lowered  }
0x9d: {  	s22 =	simm.s32 $0x1BFF;
	s21 =	sshll.u32 s8, $0x1;
	s5 =	sadd.s32 s6, s19  }
0x9e: {  	s9 =	simm.s32 $0x0;
	s20 =	sshll.u32 s7, $0x1;
	s7 =	sadd.s32 s21, s5  }
0x9f: {  	[timem:s9], [sflag:s22] =	dma.local [hbm:s7], s20  }
0xa0: {  	_ =	swait.ge [sflag:s22], s20  }
0xa1: {  	s6 =	ssub.s32 $0x0, s20;
	[sflag:s22] =	ssyncset.done $0x0  }
0xa2: {  	[sflag:s22] =	ssyncadd.s32 s6;
	_ =	sdelay $0x1  }
0xa3: {  	s23 =	simm.s32 $0x1B8B  }
0xa4: {  	_ =	swait.ge [sflag:s23], $0x1  }
0xa5: {  	[sflag:s23] =	ssyncset.done $0x0  }
0xa6: {  	s25 =	simm.s32 $0x1B8E;
	s24 =	sld [smem:$0x3FFE];
	[sflag:s23] =	ssyncadd.s32 $0xFFFFFFFF  }
0xa7: {  	s26 =	simm.s32 $execute0_lowered;
	[smem:$0x3FD2] =	sst s25  }
0xa8: {  	s7 =	sshll.u32 s26, $0x1;
	_ =	strace $0x80000046;
	[dreg:$0x1] =	wrdreg $0xFFFFFFFF  }
0xa9: {  	s28 =	simm.s32 $_size_execute0_lowered;
	s5 =	sadd.s32 s5, s7;
	[dreg:$0x0] =	wrdreg $0x0  }
0xaa: {  	s7 =	sshll.u32 s28, $0x1;
	[dreg:$0x2] =	wrdreg s5  }
0xab: {  	[dreg:$0x3] =	wrdreg s7  }
0xac: {  	[dreg:$0x4] =	wrdreg $0xC0  }
0xad: {  	_ =	task [dreg:s9], $0x5FFFF  }
0xae: {  	[dreg:$0x1] =	wrdreg $0xFFFFFFFF  }
0xaf: {  	[dreg:$0x0] =	wrdreg $0x60  }
0xb0: {  	[dreg:$0x2] =	wrdreg s2  }
0xb1: {  	[dreg:$0x3] =	wrdreg s18  }
0xb2: {  	[dreg:$0x4] =	wrdreg s24  }
0xb3: {  	[dreg:$0x5] =	wrdreg s4  }
0xb4: {  	[dreg:$0x6] =	wrdreg $0x9  }
0xb5: {  	_ =	task.clear_ibuf [dreg:s9], $0x7FFFF;
	_ =	strace $0x90000046  }
0xb6: {  	s29 =	simm.s32 $0x9;
	_ =	strace $0x80000048  }
0xb7: {  	_ =	swait.ge [sflag:s29], $0x1  }
0xb8: {  	[sflag:s29] =	ssyncadd.s32 $0xFFFFFFFF  }
0xb9: {  	_ =	strace $0x90000048  }
0xba: {  	_ =	sfence  }
0xbb: {  	s30 =	sld [smem:$0x0];
	_ =	sdelay $0x2  }
0xbc: {  	s31 =	sshll.u32 s1, $0xD;
	s1 =	sshrl.u32 s1, $0x2  }
0xbd: {  	s3 =	sand.u32 $0x4000, s31;
	s1 =	sadd.s32 s1, s30  }
0xbe: {  	s0 =	sor.u32 s3, s0;
	s1 =	sshll.u32 s1, $0x11  }
0xbf: {  	s0 =	sor.u32 s1, s0  }
0xc0: {  	s0 =	sadd.s32 $0x8F2B, s0  }
0xc1: {  	[sflag:s0] =	ssyncadd.remote.s32 $0x1  }
0xc2: {  	_ =	sfence.sel $0xFFFF  }
0xc3: {  	[dreg:$0x0] =	wrdreg $0xFFFFFFFF;
	(pc) =	sbr.abs _section_cstart, $3  }
0xc4: {  	[dreg:$0x1] =	wrdreg $0xFFFFFFFF  }
0xc5: {  	_ =	task.clear_ibuf [dreg:s9], $0x2FFFF;
	_ =	strace $0x9FFFFFFF  }
0xc6: {  	(tm) =	ssettm $0x7FFFFFFF  }
0xc7: {  	_ =	shalt  }
tec
execute0_lowered:
.L_overlay_start_1:
0x0: {  	(tag) =	ssettag $0x1  }
0x1: {  	s0 =	rddreg [dreg:$0x0]  }
0x2: {  	s1 =	rddreg [dreg:$0x1]  }
0x3: {  	s4 =	rddreg [dreg:$0x2]  }
0x4: {  	s7 =	rddreg [dreg:$0x3]  }
0x5: {  	s2 =	simm.s32 $0x0;
	s3 =	srdreg.scid;
	s6 =	stileid.u32  }
0x6: {  	s10 =	simm.s32 $0x200;
	s11 =	simm.s32 $0x40;
	s28 =	simm.s32 $0x300  }
0x7: {  	s29 =	simm.s32 $0x6400;
	s30 =	simm.s32 $0x140;
	s31 =	simm.s32 $0x2C00  }
0x8: {  	s12 =	simm.s32 $0x180;
	s13 =	simm.s32 $0x3400;
	s14 =	simm.s32 $0x380  }
0x9: {  	s15 =	simm.s32 $0x7400;
	s16 =	simm.s32 $0x1C0;
	s17 =	simm.s32 $0x3C00  }
0xa: {  	s18 =	simm.s32 $0x3C0;
	s19 =	simm.s32 $0x7C00;
	s20 =	simm.s32 $0x1  }
0xb: {  	s21 =	simm.s32 $0x2;
	s22 =	simm.s32 $0x8400;
	s23 =	simm.s32 $0x0  }
0xc: {  	[smem:$0x7FF] =	sst s2;
	s3 =	sand.u32 $0x1, s3;
	s6 =	sshll.u32 s6, $0x7  }
0xd: {  	vm0 =	vmmov $0x1;
	vm1 =	vmmov $0x3;
	vm2 =	vmmov $0x7;
	_ =	strace $0x80000047;
	s5 =	ssub.s32 $0x2, s3;
	s8 =	sshll.u32 s3, $0x6  }
0xe: {  	vm3 =	vmmov $0xf;
	vm4 =	vmmov $0x1f;
	vm5 =	vmmov $0x3f;
	s3 =	sadd.s32 $0xF42800, s4;
	s9 =	sshrl.u32 s5, $0x1;
	s8 =	sor.u32 s8, s6  }
0xf: {  	vm6 =	vmmov $0x7f;
	vm7 =	vmmov $0xff;
	vm8 =	vmmov $0x1ff;
	s4 =	sadd.s32 $0x1313200, s4;
	s9 =	ssub.s32 s5, s9;
	s5 =	sadd.s32 s0, s8  }
0x10: {  	vm9 =	vmmov $0x3ff;
	vm10 =	vmmov $0x7ff;
	vm11 =	vmmov $0xfff;
	s6 =	sadd.s32 s1, s8;
	s7 =	sadd.s32 s7, s8;
	s0 =	simm.s32 $0x340  }
0x11: {  	vm12 =	vmmov $0x1fff;
	vm13 =	vmmov $0x3fff;
	vm14 =	vmmov $0x7fff;
	s1 =	simm.s32 $0x6C00;
	s8 =	smax.u32 s9, $0x1;
	s9 =	simm.s32 $0x3  }
.LBB2_1:
0x12: {  	[tilespmem:s2], [sflag:$0x3] =	stream.linear.gather [hbm4b:s5+s2], $0x200, $0x38;
	[tilespmem:$0x8600] =	vst v63  }
0x13: {  	_ =	swait.ge [sflag:s9], $0x200  }
0x14: {  	[sflag:s9] =	ssyncset.done $0x0  }
0x15: {  	[sflag:s9] =	ssyncadd.s32 $0xFFFFFE00  }
0x16: {  	[tilespmem:s10], [sflag:$0x3] =	stream.linear.gather [hbm4b:s6+s2], $0x200, $0x38;
	[tilespmem:$0x8600] =	vst v63  }
0x17: {  	_ =	swait.ge [sflag:s9], $0x200  }
0x18: {  	[sflag:s9] =	ssyncset.done $0x0  }
0x19: {  	s24 =	simm.s32 $0x400;
	[sflag:s9] =	ssyncadd.s32 $0xFFFFFE00  }
0x1a: {  	[tilespmem:s24], [sflag:$0x1] =	stream.indirect.gather [hbm4b:s3+s11], $0x20, s2, s11, $0xb8;
	[tilespmem:$0x8600] =	vst v63  }
0x1b: {  	s26 =	simm.s32 $0x4400  }
0x1c: {  	[tilespmem:s26], [sflag:$0x2] =	stream.indirect.gather [hbm4b:s4+s11], $0x20, s10, s11, $0xb8;
	[tilespmem:$0x8600] =	vst v63  }
0x1d: {  	s25 =	simm.s32 $0xC00  }
0x1e: {  	[tilespmem:s25], [sflag:$0x1] =	stream.indirect.gather [hbm4b:s3+s11], $0x20, s11, s11, $0xb8;
	[tilespmem:$0x8600] =	vst v63  }
0x1f: {  	s26 =	simm.s32 $0x240;
	s25 =	simm.s32 $0x4C00  }
0x20: {  	[tilespmem:s25], [sflag:$0x2] =	stream.indirect.gather [hbm4b:s4+s11], $0x20, s26, s11, $0xb8;
	[tilespmem:$0x8600] =	vst v63  }
0x21: {  	s25 =	simm.s32 $0x80;
	s26 =	simm.s32 $0x1400  }
0x22: {  	[tilespmem:s26], [sflag:$0x1] =	stream.indirect.gather [hbm4b:s3+s11], $0x20, s25, s11, $0xb8;
	[tilespmem:$0x8600] =	vst v63  }
0x23: {  	s25 =	simm.s32 $0x280;
	s26 =	simm.s32 $0x5400  }
0x24: {  	[tilespmem:s26], [sflag:$0x2] =	stream.indirect.gather [hbm4b:s4+s11], $0x20, s25, s11, $0xb8;
	[tilespmem:$0x8600] =	vst v63  }
0x25: {  	s25 =	simm.s32 $0xC0;
	s26 =	simm.s32 $0x1C00  }
0x26: {  	[tilespmem:s26], [sflag:$0x1] =	stream.indirect.gather [hbm4b:s3+s11], $0x20, s25, s11, $0xb8;
	[tilespmem:$0x8600] =	vst v63  }
0x27: {  	s25 =	simm.s32 $0x2C0;
	s26 =	simm.s32 $0x5C00  }
0x28: {  	[tilespmem:s26], [sflag:$0x2] =	stream.indirect.gather [hbm4b:s4+s11], $0x20, s25, s11, $0xb8;
	[tilespmem:$0x8600] =	vst v63  }
0x29: {  	s25 =	simm.s32 $0x100;
	s26 =	simm.s32 $0x2400  }
0x2a: {  	[tilespmem:s26], [sflag:$0x1] =	stream.indirect.gather [hbm4b:s3+s11], $0x20, s25, s11, $0xb8;
	[tilespmem:$0x8600] =	vst v63  }
0x2b: {  	_ = 	snop  }
0x2c: {  	[tilespmem:s29], [sflag:$0x2] =	stream.indirect.gather [hbm4b:s4+s11], $0x20, s28, s11, $0xb8;
	[tilespmem:$0x8600] =	vst v63  }
0x2d: {  	_ = 	snop  }
0x2e: {  	[tilespmem:s31], [sflag:$0x1] =	stream.indirect.gather [hbm4b:s3+s11], $0x20, s30, s11, $0xb8;
	[tilespmem:$0x8600] =	vst v63  }
0x2f: {  	_ = 	snop  }
0x30: {  	[tilespmem:s1], [sflag:$0x2] =	stream.indirect.gather [hbm4b:s4+s11], $0x20, s0, s11, $0xb8;
	[tilespmem:$0x8600] =	vst v63  }
0x31: {  	_ = 	snop  }
0x32: {  	[tilespmem:s13], [sflag:$0x1] =	stream.indirect.gather [hbm4b:s3+s11], $0x20, s12, s11, $0xb8;
	[tilespmem:$0x8600] =	vst v63  }
0x33: {  	_ = 	snop  }
0x34: {  	[tilespmem:s15], [sflag:$0x2] =	stream.indirect.gather [hbm4b:s4+s11], $0x20, s14, s11, $0xb8;
	[tilespmem:$0x8600] =	vst v63  }
0x35: {  	_ = 	snop  }
0x36: {  	[tilespmem:s17], [sflag:$0x1] =	stream.indirect.gather [hbm4b:s3+s11], $0x20, s16, s11, $0xb8;
	[tilespmem:$0x8600] =	vst v63  }
0x37: {  	_ = 	snop  }
0x38: {  	[tilespmem:s19], [sflag:$0x2] =	stream.indirect.gather [hbm4b:s4+s11], $0x20, s18, s11, $0xb8;
	[tilespmem:$0x8600] =	vst v63  }
0x39: {  	_ =	swait.ge [sflag:s20], $0x800  }
0x3a: {  	[sflag:s20] =	ssyncset.done $0x0  }
0x3b: {  	[sflag:s20] =	ssyncadd.s32 $0xFFFFF800  }
0x3c: {  	_ =	swait.ge [sflag:s21], $0x800  }
0x3d: {  	[sflag:s21] =	ssyncset.done $0x0  }
0x3e: {  	[sflag:s21] =	ssyncadd.s32 $0xFFFFF800  }
0x3f: {  	_ =	swait.ge [sflag:s20], $0x800  }
0x40: {  	[sflag:s20] =	ssyncset.done $0x0  }
0x41: {  	[sflag:s20] =	ssyncadd.s32 $0xFFFFF800  }
0x42: {  	_ =	swait.ge [sflag:s21], $0x800  }
0x43: {  	[sflag:s21] =	ssyncset.done $0x0  }
0x44: {  	[sflag:s21] =	ssyncadd.s32 $0xFFFFF800  }
0x45: {  	_ =	swait.ge [sflag:s20], $0x800  }
0x46: {  	[sflag:s20] =	ssyncset.done $0x0  }
0x47: {  	[sflag:s20] =	ssyncadd.s32 $0xFFFFF800  }
0x48: {  	_ =	swait.ge [sflag:s21], $0x800  }
0x49: {  	[sflag:s21] =	ssyncset.done $0x0  }
0x4a: {  	[sflag:s21] =	ssyncadd.s32 $0xFFFFF800  }
0x4b: {  	_ =	swait.ge [sflag:s20], $0x800  }
0x4c: {  	[sflag:s20] =	ssyncset.done $0x0  }
0x4d: {  	[sflag:s20] =	ssyncadd.s32 $0xFFFFF800  }
0x4e: {  	_ =	swait.ge [sflag:s21], $0x800  }
0x4f: {  	[sflag:s21] =	ssyncset.done $0x0  }
0x50: {  	[sflag:s21] =	ssyncadd.s32 $0xFFFFF800  }
0x51: {  	_ =	swait.ge [sflag:s20], $0x800  }
0x52: {  	[sflag:s20] =	ssyncset.done $0x0  }
0x53: {  	[sflag:s20] =	ssyncadd.s32 $0xFFFFF800  }
0x54: {  	_ =	swait.ge [sflag:s21], $0x800  }
0x55: {  	[sflag:s21] =	ssyncset.done $0x0  }
0x56: {  	[sflag:s21] =	ssyncadd.s32 $0xFFFFF800  }
0x57: {  	_ =	swait.ge [sflag:s20], $0x800  }
0x58: {  	[sflag:s20] =	ssyncset.done $0x0  }
0x59: {  	[sflag:s20] =	ssyncadd.s32 $0xFFFFF800  }
0x5a: {  	_ =	swait.ge [sflag:s21], $0x800  }
0x5b: {  	[sflag:s21] =	ssyncset.done $0x0  }
0x5c: {  	[sflag:s21] =	ssyncadd.s32 $0xFFFFF800  }
0x5d: {  	_ =	swait.ge [sflag:s20], $0x800  }
0x5e: {  	[sflag:s20] =	ssyncset.done $0x0  }
0x5f: {  	[sflag:s20] =	ssyncadd.s32 $0xFFFFF800  }
0x60: {  	_ =	swait.ge [sflag:s21], $0x800  }
0x61: {  	[sflag:s21] =	ssyncset.done $0x0  }
0x62: {  	[sflag:s21] =	ssyncadd.s32 $0xFFFFF800  }
0x63: {  	_ =	swait.ge [sflag:s20], $0x800  }
0x64: {  	[sflag:s20] =	ssyncset.done $0x0  }
0x65: {  	[sflag:s20] =	ssyncadd.s32 $0xFFFFF800  }
0x66: {  	_ =	swait.ge [sflag:s21], $0x800  }
0x67: {  	[sflag:s21] =	ssyncset.done $0x0  }
0x68: {  	s26 =	simm.s32 $0x0;
	[sflag:s21] =	ssyncadd.s32 $0xFFFFF800  }
0x69: {  	v0 =	vld [tilespmem:s26+$0x5C0]  }
0x6a: {  	v1 =	vld [tilespmem:s26+$0x45C0]  }
0x6b: {  	v2 =	vld [tilespmem:s26+$0x5D0]  }
0x6c: {  	v3 =	vld [tilespmem:s26+$0x45D0]  }
0x6d: {  	v4 =	vld [tilespmem:s26+$0x5A0]  }
0x6e: {  	v5 =	vld [tilespmem:s26+$0x580]  }
0x6f: {  	v6 =	vld [tilespmem:s26+$0x4580]  }
0x70: {  	v7 =	vld [tilespmem:s26+$0x590]  }
0x71: {  	v8 =	vld [tilespmem:s26+$0x4590]  }
0x72: {  	v9 =	vld [tilespmem:s26+$0x560]  }
0x73: {  	v10 =	vld [tilespmem:s26+$0x4560]  }
0x74: {  	v11 =	vld [tilespmem:s26+$0x570]  }
0x75: {  	v12 =	vld [tilespmem:s26+$0x4570]  }
0x76: {  	v13 =	vld [tilespmem:s26+$0x540]  }
0x77: {  	v14 =	vld [tilespmem:s26+$0x520]  }
0x78: {  	v15 =	vld [tilespmem:s26+$0x4520]  }
0x79: {  	v16 =	vld [tilespmem:s26+$0x530]  }
0x7a: {  	v17 =	vld [tilespmem:s26+$0x4530]  }
0x7b: {  	v18 =	vld [tilespmem:s26+$0x500]  }
0x7c: {  	v19 =	vld [tilespmem:s26+$0x4500]  }
0x7d: {  	v20 =	vld [tilespmem:s26+$0x510]  }
0x7e: {  	v21 =	vld [tilespmem:s26+$0x4510]  }
0x7f: {  	v22 =	vld [tilespmem:s26+$0x4E0]  }
0x80: {  	v23 =	vld [tilespmem:s26+$0x4C0]  }
0x81: {  	v24 =	vld [tilespmem:s26+$0x44C0]  }
0x82: {  	v25 =	vld [tilespmem:s26+$0x4D0]  }
0x83: {  	v26 =	vld [tilespmem:s26+$0x44D0]  }
0x84: {  	v27 =	vld [tilespmem:s26+$0x4A0]  }
0x85: {  	v28 =	vld [tilespmem:s26+$0x44A0]  }
0x86: {  	v29 =	vld [tilespmem:s26+$0x4B0]  }
0x87: {  	v30 =	vld [tilespmem:s26+$0x44B0]  }
0x88: {  	v31 =	vld [tilespmem:s26+$0x480]  }
0x89: {  	v32 =	vld [tilespmem:s26+$0x460]  }
0x8a: {  	v33 =	vld [tilespmem:s26+$0x4460]  }
0x8b: {  	v34 =	vld [tilespmem:s26+$0x470]  }
0x8c: {  	v35 =	vld [tilespmem:s26+$0x4470]  }
0x8d: {  	v36 =	vld [tilespmem:s26+$0x440]  }
0x8e: {  	v37 =	vld [tilespmem:s26+$0x4440]  }
0x8f: {  	v38 =	vld [tilespmem:s26+$0x450]  }
0x90: {  	v39 =	vld [tilespmem:s26+$0x4450]  }
0x91: {  	v40 =	vld [tilespmem:s26+$0x4400]  }
0x92: {  	v41 =	vld [tilespmem:s26+$0x400]  }
0x93: {  	v0 =	vmul.f32 v1, v0;
	v1 =	vmul.f32 v3, v2;
	v2 =	vld [tilespmem:s26+$0x410]  }
0x94: {  	v3 =	vmul.f32 v6, v5;
	v5 =	vmul.f32 v8, v7;
	v6 =	vld [tilespmem:s26+$0x4410]  }
0x95: {  	v7 =	vmul.f32 v12, v11;
	v8 =	vld [tilespmem:s26+$0x420];
	v0 =	vadd.f32 v1, v0;
	v1 =	vmul.f32 v10, v9  }
0x96: {  	v11 =	vld [tilespmem:s26+$0x430];
	v3 =	vadd.f32 v5, v3;
	v5 =	vmul.f32 v15, v14;
	v9 =	vmul.f32 v17, v16  }
0x97: {  	v12 =	vld [tilespmem:s26+$0x4430];
	(xrf2) =	vadd.scan.msk.f32 $0xffff, v0;
	v0 =	vadd.f32 v7, v1;
	v1 =	vmul.f32 v19, v18;
	v7 =	vmul.f32 v21, v20  }
0x98: {  	v10 =	vld [tilespmem:s26+$0x4420];
	(xrf2) =	vadd.scan.msk.f32 $0xffff, v3;
	v3 =	vadd.f32 v9, v5;
	v5 =	vmul.f32 v24, v23;
	v9 =	vmul.f32 v26, v25  }
0x99: {  	v14 =	vld [tilespmem:s26+$0x4480];
	(xrf2) =	vadd.scan.msk.f32 $0xffff, v0;
	v0 =	vadd.f32 v7, v1;
	v1 =	vmul.f32 v28, v27;
	v7 =	vmul.f32 v30, v29  }
0x9a: {  	v15 =	vld [tilespmem:s26+$0x490];
	(xrf2) =	vadd.scan.msk.f32 $0xffff, v3;
	v3 =	vadd.f32 v9, v5;
	v5 =	vmul.f32 v33, v32;
	v9 =	vmul.f32 v35, v34  }
0x9b: {  	v16 =	vld [tilespmem:s26+$0x4490];
	(xrf2) =	vadd.scan.msk.f32 $0xffff, v0;
	v0 =	vadd.f32 v7, v1;
	v1 =	vmul.f32 v37, v36;
	v7 =	vmul.f32 v39, v38  }
0x9c: {  	v2 =	vmul.f32 v6, v2;
	v6 =	vld [tilespmem:s26+$0x44E0];
	(xrf2) =	vadd.scan.msk.f32 $0xffff, v3;
	v3 =	vadd.f32 v9, v5  }
0x9d: {  	v5 =	vmul.f32 v40, v41;
	(xrf2) =	vadd.scan.msk.f32 $0xffff, v0;
	v0 =	vadd.f32 v7, v1;
	v1 =	vmul.f32 v10, v8;
	v8 =	vld [tilespmem:s26+$0x4F0]  }
0x9e: {  	v7 =	vmul.f32 v12, v11;
	v10 =	vld [tilespmem:s26+$0x4550]  }
0x9f: {  	(xrf2) =	vadd.scan.msk.f32 $0xffff, v3;
	v2 =	vadd.f32 v2, v5;
	v3 =	vld [tilespmem:s26+$0x44F0]  }
0xa0: {  	(xrf2) =	vadd.scan.msk.f32 $0xffff, v0;
	v0 =	vadd.f32 v7, v1;
	v1 =	vld [tilespmem:s26+$0x4540]  }
0xa1: {  	v5 =	vmul.f32 v16, v15;
	v7 =	vld [tilespmem:s26+$0x550];
	(xrf2) =	vadd.scan.msk.f32 $0xffff, v2;
	v2 =	vmul.f32 v14, v31  }
0xa2: {  	v14 =	vld [tilespmem:s26+$0x45B0]  }
0xa3: {  	v9, _, _ =	vpop (xrf2);
	(xrf2) =	vadd.scan.msk.f32 $0xffff, v0;
	v2 =	vadd.f32 v5, v2;
	v5 =	vld [tilespmem:s26+$0x45A0]  }
0xa4: {  	v6 =	vmul.f32 v6, v22;
	v0, _, _ =	vpop (xrf2);
	v3 =	vmul.f32 v3, v8;
	v8 =	vld [tilespmem:s26+$0x5B0]  }
0xa5: {  	v11, _, _ =	vpop (xrf2)  }
0xa6: {  	v12, _, _ =	vpop (xrf2);
	v3 =	vadd.f32 v3, v6  }
0xa7: {  	(xrf2) =	vadd.scan.msk.f32 $0xffff, v2;
	v2, _, _ =	vpop (xrf2)  }
0xa8: {  	v1 =	vmul.f32 v1, v13;
	v7 =	vmul.f32 v10, v7;
	v15, _, _ =	vpop (xrf2)  }
0xa9: {  	v4 =	vmul.f32 v5, v4;
	v13, _, _ =	vpop (xrf2);
	v5 =	vmul.f32 v14, v8  }
0xaa: {  	v10 =	vld [tilespmem:s26+$0x45E0];
	(xrf2) =	vadd.scan.msk.f32 $0xffff, v3;
	v3, _, _ =	vpop (xrf2)  }
0xab: {  	v6 =	vld [tilespmem:s26+$0x5E0];
	v1 =	vadd.f32 v7, v1;
	v17, _, _ =	vpop (xrf2)  }
0xac: {  	v16 =	vld [tilespmem:s26+$0x5F0];
	v8, _, _ =	vpop (xrf2)  }
0xad: {  	v7 =	vld [tilespmem:s26+$0x45F0];
	(xrf2) =	vadd.scan.msk.f32 $0xffff, v1;
	v1 =	vadd.f32 v5, v4;
	v5, _, _ =	vpop (xrf2)  }
0xae: {  	v5 =	vbroadcast v5, $0xF;
	_ =	sdelay $0x1  }
0xaf: {  	v4 =	vmul.f32 v10, v6;
	v6 =	vbroadcast v8, $0xF  }
0xb0: {  	v8 =	vbroadcast v17, $0xF  }
0xb1: {  	v3 =	vbroadcast v3, $0xF;
	v7 =	vmul.f32 v7, v16;
	(xrf2) =	vadd.scan.msk.f32 $0xffff, v1;
	v1 =	vsel vm0, v6, v5;
	v5, _, _ =	vpop (xrf2)  }
0xb2: {  	v1 =	vsel vm1, v1, v8;
	v5 =	vbroadcast v5, $0xF  }
0xb3: {  	v4 =	vadd.f32 v7, v4;
	v1 =	vsel vm2, v1, v3;
	v3 =	vbroadcast v13, $0xF  }
0xb4: {  	v6, _, _ =	vpop (xrf2);
	v1 =	vsel vm3, v1, v5;
	v5 =	vbroadcast v15, $0xF  }
0xb5: {  	v1 =	vsel vm4, v1, v3;
	v3 =	vbroadcast v6, $0xF  }
0xb6: {  	v2 =	vbroadcast v2, $0xF;
	(xrf2) =	vadd.scan.msk.f32 $0xffff, v4;
	v1 =	vsel vm5, v1, v5  }
0xb7: {  	v4, _, _ =	vpop (xrf2);
	v1 =	vsel vm6, v1, v3;
	v3 =	vbroadcast v12, $0xF  }
0xb8: {  	v1 =	vsel vm7, v1, v2;
	v2 =	vbroadcast v4, $0xF  }
0xb9: {  	v1 =	vsel vm8, v1, v3;
	v3 =	vbroadcast v11, $0xF  }
0xba: {  	v0 =	vbroadcast v0, $0xF;
	v1 =	vsel vm9, v1, v2  }
0xbb: {  	v1 =	vsel vm10, v1, v3  }
0xbc: {  	v2, _, _ =	vpop (xrf2);
	v0 =	vsel vm11, v1, v0;
	v1 =	vbroadcast v9, $0xF  }
0xbd: {  	v2 =	vbroadcast v2, $0xF;
	_ =	sdelay $0x1  }
0xbe: {  	v0 =	vsel vm12, v0, v2  }
0xbf: {  	v0 =	vsel vm13, v0, v1;
	v1, _, _ =	vpop (xrf2)  }
0xc0: {  	v0 =	vsel vm14, v0, v1  }
0xc1: {  	s25 =	simm.s32 $0x200;
	[tilespmem:s22+$0x0] =	vst v0  }
0xc2: {  	v2 =	vld [tilespmem:s25+$0x5C0]  }
0xc3: {  	v3 =	vld [tilespmem:s25+$0x45C0]  }
0xc4: {  	v5 =	vld [tilespmem:s25+$0x5D0]  }
0xc5: {  	v6 =	vld [tilespmem:s25+$0x45D0]  }
0xc6: {  	v0 =	vld [tilespmem:s25+$0x5A0]  }
0xc7: {  	v7 =	vld [tilespmem:s25+$0x580]  }
0xc8: {  	v8 =	vld [tilespmem:s25+$0x4580]  }
0xc9: {  	v9 =	vld [tilespmem:s25+$0x590]  }
0xca: {  	v10 =	vld [tilespmem:s25+$0x4590]  }
0xcb: {  	v11 =	vld [tilespmem:s25+$0x560]  }
0xcc: {  	v12 =	vld [tilespmem:s25+$0x4560]  }
0xcd: {  	v13 =	vld [tilespmem:s25+$0x570]  }
0xce: {  	v14 =	vld [tilespmem:s25+$0x4570]  }
0xcf: {  	v1 =	vld [tilespmem:s25+$0x540]  }
0xd0: {  	v15 =	vld [tilespmem:s25+$0x520]  }
0xd1: {  	v16 =	vld [tilespmem:s25+$0x4520]  }
0xd2: {  	v17 =	vld [tilespmem:s25+$0x530]  }
0xd3: {  	v18 =	vld [tilespmem:s25+$0x4530]  }
0xd4: {  	v19 =	vld [tilespmem:s25+$0x500]  }
0xd5: {  	v54 =	vld [tilespmem:s25+$0x4500]  }
0xd6: {  	v55 =	vld [tilespmem:s25+$0x510]  }
0xd7: {  	v56 =	vld [tilespmem:s25+$0x4510]  }
0xd8: {  	v4 =	vld [tilespmem:s25+$0x4E0]  }
0xd9: {  	v57 =	vld [tilespmem:s25+$0x4C0]  }
0xda: {  	v58 =	vld [tilespmem:s25+$0x44C0]  }
0xdb: {  	v59 =	vld [tilespmem:s25+$0x4D0]  }
0xdc: {  	v60 =	vld [tilespmem:s25+$0x44D0];
	v2 =	vmul.f32 v3, v2;
	v3 =	vmul.f32 v6, v5  }
0xdd: {  	v61 =	vld [tilespmem:s25+$0x4A0];
	v6 =	vmul.f32 v8, v7;
	v8 =	vmul.f32 v10, v9  }
0xde: {  	v62 =	vld [tilespmem:s25+$0x44A0];
	v2 =	vadd.f32 v3, v2  }
0xdf: {  	v63 =	vld [tilespmem:s25+$0x4450];
	v9 =	vmul.f32 v14, v13;
	v3 =	vmul.f32 v12, v11;
	v6 =	vadd.f32 v8, v6  }
0xe0: {  	v5 =	vld [tilespmem:s25+$0x4B0];
	v8 =	vmul.f32 v16, v15;
	v11 =	vmul.f32 v18, v17;
	(xrf2) =	vadd.scan.msk.f32 $0xffff, v2  }
0xe1: {  	v10 =	vld [tilespmem:s25+$0x44B0];
	v2 =	vadd.f32 v9, v3;
	(xrf2) =	vadd.scan.msk.f32 $0xffff, v6  }
0xe2: {  	v7 =	vld [tilespmem:s25+$0x480];
	v3 =	vadd.f32 v11, v8  }
0xe3: {  	v13 =	vld [tilespmem:s25+$0x460];
	(xrf2) =	vadd.scan.msk.f32 $0xffff, v2  }
0xe4: {  	v14 =	vld [tilespmem:s25+$0x4460];
	v2 =	vmul.f32 v54, v19;
	(xrf2) =	vadd.scan.msk.f32 $0xffff, v3;
	v3 =	vmul.f32 v56, v55  }
0xe5: {  	v16 =	vld [tilespmem:s25+$0x440]  }
0xe6: {  	v11 =	vld [tilespmem:s25+$0x4470];
	v3 =	vadd.f32 v3, v2  }
0xe7: {  	v12 =	vmul.f32 v58, v57;
	v15 =	vmul.f32 v60, v59;
	v6 =	vld [tilespmem:s25+$0x470]  }
0xe8: {  	v17 =	vld [tilespmem:s25+$0x4440];
	(xrf2) =	vadd.scan.msk.f32 $0xffff, v3  }
0xe9: {  	v18 =	vld [tilespmem:s25+$0x450];
	v15 =	vadd.f32 v15, v12  }
0xea: {  	v8 =	vld [tilespmem:s25+$0x4400];
	v5 =	vmul.f32 v10, v5;
	v19 =	vmul.f32 v62, v61;
	v2, _, _ =	vpop (xrf2)  }
0xeb: {  	v9 =	vld [tilespmem:s25+$0x400];
	v3, _, _ =	vpop (xrf2);
	(xrf2) =	vadd.scan.msk.f32 $0xffff, v15  }
0xec: {  	v12 =	vld [tilespmem:s25+$0x4410];
	v19 =	vadd.f32 v5, v19;
	v6 =	vmul.f32 v11, v6  }
0xed: {  	v10 =	vld [tilespmem:s25+$0x410];
	v14 =	vmul.f32 v14, v13  }
0xee: {  	v13 =	vld [tilespmem:s25+$0x4420];
	(xrf2) =	vadd.scan.msk.f32 $0xffff, v19  }
0xef: {  	v11 =	vld [tilespmem:s25+$0x420];
	v15 =	vadd.f32 v6, v14;
	v5, _, _ =	vpop (xrf2)  }
0xf0: {  	s24 =	simm.s32 $0x8400;
	s26 =	simm.s32 $0x1000;
	v16 =	vmul.f32 v17, v16;
	v17 =	vmul.f32 v63, v18;
	v14 =	vld [tilespmem:s25+$0x430];
	v6, _, _ =	vpop (xrf2)  }
.LBB2_2:
0xf1: {  	p0 =	sne.s32 s26, $0xF800;
	v18 =	vld [tilespmem:s25+$0x4430];
	(xrf2) =	vadd.scan.msk.f32 $0xffff, v15  }
0xf2: {  	v19 =	vadd.f32 v17, v16;
	v16 =	vld [tilespmem:s25+$0x4480];
	v17, _, _ =	vpop (xrf2)  }
0xf3: {  	v8 =	vmul.f32 v8, v9;
	v9 =	vmul.f32 v12, v10;
	v10 =	vld [tilespmem:s25+$0x490]  }
0xf4: {  	v12 =	vld [tilespmem:s25+$0x4490];
	(xrf2) =	vadd.scan.msk.f32 $0xffff, v19  }
0xf5: {  	v8 =	vadd.f32 v9, v8;
	v9 =	vld [tilespmem:s25+$0x44E0];
	v15, _, _ =	vpop (xrf2)  }
0xf6: {  	v11 =	vmul.f32 v13, v11;
	v19 =	vmul.f32 v18, v14;
	v14 =	vld [tilespmem:s25+$0x4F0]  }
0xf7: {  	v18 =	vld [tilespmem:s25+$0x44F0];
	(xrf2) =	vadd.scan.msk.f32 $0xffff, v8  }
0xf8: {  	v8 =	vadd.f32 v19, v11;
	v11 =	vld [tilespmem:s25+$0x4540];
	v13, _, _ =	vpop (xrf2)  }
0xf9: {  	v7 =	vmul.f32 v16, v7;
	v19 =	vmul.f32 v12, v10;
	v12 =	vld [tilespmem:s25+$0x550]  }
0xfa: {  	v16 =	vld [tilespmem:s25+$0x4550];
	(xrf2) =	vadd.scan.msk.f32 $0xffff, v8  }
0xfb: {  	v7 =	vadd.f32 v19, v7;
	v8 =	vld [tilespmem:s25+$0x45A0];
	v10, _, _ =	vpop (xrf2)  }
0xfc: {  	v4 =	vmul.f32 v9, v4;
	v19 =	vmul.f32 v18, v14;
	v14 =	vld [tilespmem:s25+$0x5B0]  }
0xfd: {  	v18 =	vld [tilespmem:s25+$0x45B0];
	(xrf2) =	vadd.scan.msk.f32 $0xffff, v7  }
0xfe: {  	v4 =	vadd.f32 v19, v4;
	v7 =	vld [tilespmem:s25+$0x5E0];
	v9, _, _ =	vpop (xrf2)  }
0xff: {  	v1 =	vmul.f32 v11, v1;
	v19 =	vmul.f32 v16, v12;
	v12 =	vld [tilespmem:s25+$0x45E0]  }
0x100: {  	v16 =	vld [tilespmem:s25+$0x5F0];
	(xrf2) =	vadd.scan.msk.f32 $0xffff, v4  }
0x101: {  	v1 =	vadd.f32 v19, v1;
	v4 =	vld [tilespmem:s25+$0x45F0];
	v11, _, _ =	vpop (xrf2)  }
0x102: {  	v0 =	vmul.f32 v8, v0;
	v8 =	vmul.f32 v18, v14  }
0x103: {  	(xrf2) =	vadd.scan.msk.f32 $0xffff, v1  }
0x104: {  	v0 =	vadd.f32 v8, v0;
	v1 =	vmul.f32 v12, v7;
	v7, _, _ =	vpop (xrf2)  }
0x105: {  	v11 =	vbroadcast v11, $0xF;
	v7 =	vbroadcast v7, $0xF  }
0x106: {  	v9 =	vbroadcast v9, $0xF;
	v4 =	vmul.f32 v4, v16;
	(xrf2) =	vadd.scan.msk.f32 $0xffff, v0  }
0x107: {  	v0 =	vsel vm0, v11, v7;
	v7 =	vbroadcast v10, $0xF;
	v8, _, _ =	vpop (xrf2)  }
0x108: {  	v0 =	vsel vm1, v0, v9;
	v9 =	vbroadcast v8, $0xF;
	v1 =	vadd.f32 v4, v1  }
0x109: {  	v4 =	vbroadcast v13, $0xF;
	v0 =	vsel vm2, v0, v7  }
0x10a: {  	v7 =	vbroadcast v15, $0xF;
	v0 =	vsel vm3, v0, v9;
	v8, _, _ =	vpop (xrf2);
	(xrf2) =	vadd.scan.msk.f32 $0xffff, v1  }
0x10b: {  	v0 =	vsel vm4, v0, v4;
	v1 =	vbroadcast v8, $0xF  }
0x10c: {  	v4 =	vbroadcast v17, $0xF;
	v0 =	vsel vm5, v0, v7  }
0x10d: {  	v0 =	vsel vm6, v0, v1;
	v1 =	vbroadcast v6, $0xF;
	v6, _, _ =	vpop (xrf2)  }
0x10e: {  	v0 =	vsel vm7, v0, v4;
	v6 =	vbroadcast v6, $0xF  }
0x10f: {  	v0 =	vsel vm8, v0, v1;
	v1 =	vbroadcast v5, $0xF  }
0x110: {  	v3 =	vbroadcast v3, $0xF;
	v0 =	vsel vm9, v0, v6;
	v4, _, _ =	vpop (xrf2)  }
0x111: {  	v0 =	vsel vm10, v0, v1;
	v4 =	vbroadcast v4, $0xF  }
0x112: {  	v2 =	vbroadcast v2, $0xF;
	v0 =	vsel vm11, v0, v3  }
0x113: {  	v0 =	vsel vm12, v0, v4  }
0x114: {  	v0 =	vsel vm13, v0, v2;
	v1, _, _ =	vpop (xrf2)  }
0x115: {  	s24 =	sadd.s32 $0x10, s24;
	v0 =	vsel vm14, v0, v1  }
0x116: {  	s25 =	sshra.s32 s26, $0x2;
	[tilespmem:s24+$0x0] =	vst v0  }
0x117: {  	v2 =	vld [tilespmem:s25+$0x5C0]  }
0x118: {  	v3 =	vld [tilespmem:s25+$0x45C0]  }
0x119: {  	v5 =	vld [tilespmem:s25+$0x5D0]  }
0x11a: {  	v6 =	vld [tilespmem:s25+$0x45D0]  }
0x11b: {  	v0 =	vld [tilespmem:s25+$0x5A0]  }
0x11c: {  	v7 =	vld [tilespmem:s25+$0x580]  }
0x11d: {  	v8 =	vld [tilespmem:s25+$0x4580]  }
0x11e: {  	v9 =	vld [tilespmem:s25+$0x590]  }
0x11f: {  	v10 =	vld [tilespmem:s25+$0x4590]  }
0x120: {  	v11 =	vld [tilespmem:s25+$0x560]  }
0x121: {  	v12 =	vld [tilespmem:s25+$0x4560]  }
0x122: {  	v13 =	vld [tilespmem:s25+$0x570]  }
0x123: {  	v14 =	vld [tilespmem:s25+$0x4570]  }
0x124: {  	v1 =	vld [tilespmem:s25+$0x540]  }
0x125: {  	v15 =	vld [tilespmem:s25+$0x520]  }
0x126: {  	v16 =	vld [tilespmem:s25+$0x4520]  }
0x127: {  	v17 =	vld [tilespmem:s25+$0x530]  }
0x128: {  	v18 =	vld [tilespmem:s25+$0x4530]  }
0x129: {  	v19 =	vld [tilespmem:s25+$0x500]  }
0x12a: {  	v20 =	vld [tilespmem:s25+$0x4500]  }
0x12b: {  	v21 =	vld [tilespmem:s25+$0x510]  }
0x12c: {  	v22 =	vld [tilespmem:s25+$0x4510]  }
0x12d: {  	v2 =	vmul.f32 v3, v2;
	v3 =	vmul.f32 v6, v5;
	v4 =	vld [tilespmem:s25+$0x4E0]  }
0x12e: {  	v5 =	vld [tilespmem:s25+$0x4C0]  }
0x12f: {  	v2 =	vadd.f32 v3, v2;
	v6 =	vld [tilespmem:s25+$0x44C0]  }
0x130: {  	v7 =	vmul.f32 v8, v7;
	v8 =	vmul.f32 v10, v9;
	v3 =	vld [tilespmem:s25+$0x4D0]  }
0x131: {  	v9 =	vld [tilespmem:s25+$0x44D0];
	(xrf2) =	vadd.scan.msk.f32 $0xffff, v2  }
0x132: {  	v2 =	vadd.f32 v8, v7;
	v10 =	vld [tilespmem:s25+$0x4A0]  }
0x133: {  	v7 =	vmul.f32 v12, v11;
	v8 =	vmul.f32 v14, v13;
	v23 =	vld [tilespmem:s25+$0x44A0]  }
0x134: {  	v11 =	vld [tilespmem:s25+$0x4B0];
	(xrf2) =	vadd.scan.msk.f32 $0xffff, v2  }
0x135: {  	v2 =	vadd.f32 v8, v7;
	v12 =	vld [tilespmem:s25+$0x44B0]  }
0x136: {  	v13 =	vmul.f32 v18, v17;
	v8 =	vmul.f32 v16, v15;
	v7 =	vld [tilespmem:s25+$0x480]  }
0x137: {  	v14 =	vld [tilespmem:s25+$0x460];
	(xrf2) =	vadd.scan.msk.f32 $0xffff, v2  }
0x138: {  	v24 =	vadd.f32 v13, v8;
	v15 =	vld [tilespmem:s25+$0x4460]  }
0x139: {  	v16 =	vmul.f32 v22, v21;
	v8 =	vmul.f32 v20, v19;
	v13 =	vld [tilespmem:s25+$0x470]  }
0x13a: {  	v17 =	vld [tilespmem:s25+$0x4470];
	(xrf2) =	vadd.scan.msk.f32 $0xffff, v24  }
0x13b: {  	v8 =	vadd.f32 v16, v8;
	v18 =	vld [tilespmem:s25+$0x440];
	v2, _, _ =	vpop (xrf2)  }
0x13c: {  	v5 =	vmul.f32 v6, v5;
	v6 =	vmul.f32 v9, v3;
	v16 =	vld [tilespmem:s25+$0x4440]  }
0x13d: {  	v19 =	vld [tilespmem:s25+$0x450];
	(xrf2) =	vadd.scan.msk.f32 $0xffff, v8  }
0x13e: {  	v21 =	vadd.f32 v6, v5;
	v20 =	vld [tilespmem:s25+$0x4450];
	v3, _, _ =	vpop (xrf2)  }
0x13f: {  	v6 =	vmul.f32 v23, v10;
	v11 =	vmul.f32 v12, v11;
	v8 =	vld [tilespmem:s25+$0x4400]  }
0x140: {  	v9 =	vld [tilespmem:s25+$0x400];
	(xrf2) =	vadd.scan.msk.f32 $0xffff, v21  }
.Ltmp0:
0x141: {  	v21 =	vadd.f32 v11, v6;
	v10 =	vld [tilespmem:s25+$0x410];
	v5, _, _ =	vpop (xrf2);
	(pc) =	sbr.rel @p0 .LBB2_2-.Ltmp0, $4  }
0x142: {  	v14 =	vmul.f32 v15, v14;
	v15 =	vmul.f32 v17, v13;
	v12 =	vld [tilespmem:s25+$0x4410]  }
0x143: {  	v11 =	vld [tilespmem:s25+$0x420];
	(xrf2) =	vadd.scan.msk.f32 $0xffff, v21  }
0x144: {  	v15 =	vadd.f32 v15, v14;
	v13 =	vld [tilespmem:s25+$0x4420];
	v6, _, _ =	vpop (xrf2)  }
0x145: {  	s26 =	sadd.s32 $0x800, s26;
	v16 =	vmul.f32 v16, v18;
	v17 =	vmul.f32 v20, v19;
	v14 =	vld [tilespmem:s25+$0x430]  }
0x146: {  	v18 =	vld [tilespmem:s25+$0x4430]  }
0x147: {  	v19 =	vld [tilespmem:s25+$0x4480]  }
0x148: {  	v20 =	vld [tilespmem:s25+$0x490]  }
0x149: {  	v21 =	vld [tilespmem:s25+$0x4490]  }
0x14a: {  	v8 =	vmul.f32 v8, v9;
	v63 =	vld [tilespmem:s25+$0x44E0];
	v62 =	vmul.f32 v12, v10  }
0x14b: {  	v24 =	vld [tilespmem:s25+$0x4F0];
	v22 =	vadd.f32 v17, v16;
	v11 =	vmul.f32 v13, v11;
	v23 =	vmul.f32 v18, v14  }
0x14c: {  	(xrf2) =	vadd.scan.msk.f32 $0xffff, v15;
	v25 =	vld [tilespmem:s25+$0x44F0];
	v8 =	vadd.f32 v62, v8  }
0x14d: {  	v26 =	vld [tilespmem:s25+$0x4540];
	(xrf2) =	vadd.scan.msk.f32 $0xffff, v22;
	v11 =	vadd.f32 v23, v11  }
0x14e: {  	v28 =	vld [tilespmem:s25+$0x550];
	(xrf2) =	vadd.scan.msk.f32 $0xffff, v8;
	v7 =	vmul.f32 v19, v7;
	v27 =	vmul.f32 v21, v20  }
0x14f: {  	v29 =	vld [tilespmem:s25+$0x4550];
	(xrf2) =	vadd.scan.msk.f32 $0xffff, v11  }
0x150: {  	v30 =	vld [tilespmem:s25+$0x45A0];
	v7 =	vadd.f32 v27, v7  }
0x151: {  	v31 =	vld [tilespmem:s25+$0x5B0];
	v4 =	vmul.f32 v63, v4;
	v9 =	vmul.f32 v25, v24  }
0x152: {  	v32 =	vld [tilespmem:s25+$0x45B0];
	(xrf2) =	vadd.scan.msk.f32 $0xffff, v7  }
0x153: {  	v34 =	vld [tilespmem:s25+$0x5E0];
	v33, _, _ =	vpop (xrf2);
	v4 =	vadd.f32 v9, v4  }
0x154: {  	v37 =	vld [tilespmem:s25+$0x45E0];
	v35, _, _ =	vpop (xrf2);
	v1 =	vmul.f32 v26, v1;
	v36 =	vmul.f32 v29, v28  }
0x155: {  	v39 =	vld [tilespmem:s25+$0x5F0];
	v38, _, _ =	vpop (xrf2);
	(xrf2) =	vadd.scan.msk.f32 $0xffff, v4  }
0x156: {  	v41 =	vld [tilespmem:s25+$0x45F0];
	v1 =	vadd.f32 v36, v1;
	v40, _, _ =	vpop (xrf2)  }
0x157: {  	v0 =	vmul.f32 v30, v0;
	v43 =	vmul.f32 v32, v31;
	v42, _, _ =	vpop (xrf2)  }
0x158: {  	(xrf2) =	vadd.scan.msk.f32 $0xffff, v1;
	v44, _, _ =	vpop (xrf2)  }
0x159: {  	v45 =	vmul.f32 v37, v34;
	v0 =	vadd.f32 v43, v0;
	v46, _, _ =	vpop (xrf2)  }
0x15a: {  	v47 =	vbroadcast v44, $0xF;
	v8 =	vbroadcast v46, $0xF  }
0x15b: {  	v49 =	vmul.f32 v41, v39;
	(xrf2) =	vadd.scan.msk.f32 $0xffff, v0;
	v48 =	vbroadcast v42, $0xF  }
0x15c: {  	v4 =	vbroadcast v40, $0xF;
	v51, _, _ =	vpop (xrf2);
	v50 =	vsel vm0, v47, v8  }
0x15d: {  	v1 =	vadd.f32 v49, v45;
	v8 =	vbroadcast v51, $0xF;
	v0 =	vsel vm1, v50, v48  }
0x15e: {  	v52 =	vbroadcast v38, $0xF;
	v0 =	vsel vm2, v0, v4  }
0x15f: {  	v53 =	vbroadcast v35, $0xF;
	v54, _, _ =	vpop (xrf2);
	(xrf2) =	vadd.scan.msk.f32 $0xffff, v1;
	v0 =	vsel vm3, v0, v8  }
0x160: {  	v55 =	vbroadcast v54, $0xF;
	v0 =	vsel vm4, v0, v52  }
0x161: {  	v56 =	vbroadcast v33, $0xF;
	v0 =	vsel vm5, v0, v53  }
0x162: {  	v57 =	vbroadcast v6, $0xF;
	v58, _, _ =	vpop (xrf2);
	v0 =	vsel vm6, v0, v55  }
0x163: {  	v59 =	vbroadcast v58, $0xF;
	v0 =	vsel vm7, v0, v56  }
0x164: {  	v60 =	vbroadcast v5, $0xF;
	v0 =	vsel vm8, v0, v57  }
0x165: {  	v3 =	vbroadcast v3, $0xF;
	v61, _, _ =	vpop (xrf2);
	v0 =	vsel vm9, v0, v59  }
0x166: {  	v62 =	vbroadcast v61, $0xF;
	v0 =	vsel vm10, v0, v60  }
0x167: {  	v2 =	vbroadcast v2, $0xF;
	v0 =	vsel vm11, v0, v3  }
0x168: {  	v0 =	vsel vm12, v0, v62  }
0x169: {  	s23 =	sadd.s32 $0x1, s23;
	v63, _, _ =	vpop (xrf2);
	v0 =	vsel vm13, v0, v2  }
0x16a: {  	s24 =	sadd.s32 $0x10, s24;
	p0 =	sne.s32 s23, s8;
	v0 =	vsel vm14, v0, v63  }
.Ltmp1:
0x16b: {  	[tilespmem:s24+$0x0] =	vst v0;
	(pc) =	sbr.rel @p0 .LBB2_1-.Ltmp1, $4  }
0x16c: {  	[hbm4b:s7+s2] =	stream.linear.scatter [tilespmem:s22], [sflag:$0x3], $0x200, $0x38;
	[tilespmem:$0x8600] =	vst v63  }
0x16d: {  	_ =	swait.ge [sflag:s9], $0x200  }
0x16e: {  	[sflag:s9] =	ssyncset.done $0x0  }
0x16f: {  	[sflag:s9] =	ssyncadd.s32 $0xFFFFFE00  }
0x170: {  	_ =	sfence.sel $0x180000  }
0x171: {  	[bflag:$0x0] =	sbarrier.arrive $0xFFFF  }
0x172: {  	_ =	strace $0x90000047  }
0x173: {  	s0 =	stileid.u32;
	[bflag:$0x2] =	sbarrier.arrive $0xFFFF  }
0x174: {  	p0 =	sne.s32 s0, $0x0;
	s0 =	rddreg [dreg:$0x4]  }
0x175: {  	s0 =	sadd.s32 @!p0 $0x100000, s0  }
0x176: {  	[sflag:s0] =	ssyncadd.tile.s32 @!p0 $0x1;
	_ =	shalt  }
.Lfunc_end2:
_tile_overlayer_lowered:
.L_overlay_start_2:
0x177: {  	(tag) =	ssettag $0x2  }
0x178: {  	s0 =	rddreg [dreg:$0x0];
	s2 =	stileid.u32  }
0x179: {  	s1 =	rddreg [dreg:$0x1];
	p0 =	sne.s32 s2, $0x0  }
0x17a: {  	s3 =	rddreg [dreg:$0x2];
	[bflag:$0x3] =	sbarrier.arrive $0xFFFF;
	s2 =	simm.s32 @!p0 $0x1C03  }
0x17b: {  	[timem:s3], [sflag:s2] =	dma.local @!p0 [hbm:s0], s1  }
0x17c: {  	s0 =	simm.s32 @!p0 $0x3  }
0x17d: {  	_ =	swait.ge @!p0 [sflag:s0], s1  }
0x17e: {  	s1 =	ssub.s32 @!p0 $0x0, s1;
	[sflag:s0] =	ssyncset.done @!p0 $0x0  }
0x17f: {  	[sflag:s0] =	ssyncadd.s32 @!p0 s1  }
0x180: {  	[bflag:$0x3] =	sbarrier.arrive $0xFFFF  }
0x181: {  	_ =	shalt  }

</sc_bundles>
